<compile_context>
chip_gen: v7x
topology: tpu7x:2x2x1
jax: 0.10.2.dev20260603
libtpu: 0.0.44.dev20260713+nightly
codegen_flags: <defaults>
</compile_context>

<pallas_src>
import functools

import jax
import jax.numpy as jnp
from jax import lax
from jax.experimental import pallas as pl
from jax.experimental.pallas import tpu as pltpu
from jax.experimental.pallas import tpu_sc as plsc

_L = 16


def _sigmoid(x):
    return 1.0 / (1.0 + jnp.exp(-x))


def _mesh():
    return plsc.VectorSubcoreMesh(core_axis_name="c", subcore_axis_name="s")


@functools.lru_cache(maxsize=None)
def _make_exer_kernel(B: int, NC: int, NS: int):
    NW = NC * NS
    assert B % (NW * _L) == 0, (B, NW)
    bpw = B // NW

    @functools.partial(
        pl.kernel,
        mesh=_mesh(),
        out_type=(jax.ShapeDtypeStruct((B,), jnp.float32),
                  jax.ShapeDtypeStruct((B,), jnp.float32)),
        scratch_types=[
            pltpu.VMEM((bpw,), jnp.int32),
            pltpu.VMEM((bpw,), jnp.float32),
            pltpu.VMEM((bpw,), jnp.float32),
            pltpu.VMEM((bpw,), jnp.float32),
            pltpu.VMEM((bpw,), jnp.float32),
            pltpu.SemaphoreType.DMA,
            pltpu.SemaphoreType.DMA,
        ],
    )
    def exer_kernel(exer_id, k_tab, d_tab, f_out, g_out,
                    eidx, krow, drow, fval, gval, sem0, sem1):
        wid = lax.axis_index("s") * NC + lax.axis_index("c")
        base = wid * bpw
        pltpu.sync_copy(exer_id.at[pl.ds(base, bpw)], eidx)
        c0 = pltpu.async_copy(k_tab.at[eidx], krow, sem0)
        c1 = pltpu.async_copy(d_tab.at[eidx], drow, sem1)
        c0.wait()
        c1.wait()

        def body(j, carry):
            sl = pl.ds(j * _L, _L)
            fval[sl] = _sigmoid(drow[sl]) * 10.0
            gval[sl] = _sigmoid(krow[sl])
            return carry

        lax.fori_loop(0, bpw // _L, body, 0, unroll=4)
        pltpu.sync_copy(fval, f_out.at[pl.ds(base, bpw)])
        pltpu.sync_copy(gval, g_out.at[pl.ds(base, bpw)])

    return exer_kernel


@functools.lru_cache(maxsize=None)
def _make_stu_kernel(B: int, NC: int, NS: int):
    NW = NC * NS
    assert B % (NW * _L) == 0, (B, NW)
    bpw = B // NW

    @functools.partial(
        pl.kernel,
        mesh=_mesh(),
        out_type=jax.ShapeDtypeStruct((B,), jnp.float32),
        scratch_types=[
            pltpu.VMEM((bpw,), jnp.int32),
            pltpu.VMEM((bpw,), jnp.float32),
            pltpu.VMEM((bpw,), jnp.float32),
            pltpu.VMEM((bpw,), jnp.float32),
            pltpu.VMEM((bpw,), jnp.float32),
            pltpu.SemaphoreType.DMA,
        ],
    )
    def stu_kernel(stu_id, s_tab, f_in, g_in, out,
                   sidx, srow, fval, gval, oval, sem0):
        wid = lax.axis_index("s") * NC + lax.axis_index("c")
        base = wid * bpw
        pltpu.sync_copy(stu_id.at[pl.ds(base, bpw)], sidx)
        c0 = pltpu.async_copy(s_tab.at[sidx], srow, sem0)
        pltpu.sync_copy(f_in.at[pl.ds(base, bpw)], fval)
        pltpu.sync_copy(g_in.at[pl.ds(base, bpw)], gval)
        c0.wait()

        def body(j, carry):
            sl = pl.ds(j * _L, _L)
            oval[sl] = _sigmoid(fval[sl] * (_sigmoid(srow[sl]) - gval[sl]))
            return carry

        lax.fori_loop(0, bpw // _L, body, 0, unroll=4)
        pltpu.sync_copy(oval, out.at[pl.ds(base, bpw)])

    return stu_kernel


def kernel(stu_id, exer_id, student_emb, k_difficulty, e_discrimination):
    B = stu_id.shape[0]
    info = plsc.get_sparse_core_info()
    exer = _make_exer_kernel(B, info.num_cores, info.num_subcores)
    stu = _make_stu_kernel(B, info.num_cores, info.num_subcores)
    f, g = exer(exer_id.astype(jnp.int32),
                k_difficulty.reshape(-1), e_discrimination.reshape(-1))
    out = stu(stu_id.astype(jnp.int32), student_emb.reshape(-1), f, g)
    return out.reshape(B, 1)

# --- scband reference (transcript-rebuilt; emitter-appended) ---
"""Pipeline reference for scband-net-2585570312713 (READ-ONLY COPY).

The authoritative reference and input builder live on the scoring server;
editing this copy changes nothing except your own understanding.
"""

import jax, jax.numpy as jnp
import numpy as np

STUDENT_N = 1000000
EXER_N = 100000
BATCH = 16384

def setup_inputs(seed: int = 0) -> dict:
    key = jax.random.key(seed)
    k1, k2, k3, k4, k5 = jax.random.split(key, 5)
    stu_id = jax.random.randint(k1, (BATCH,), 0, STUDENT_N, dtype=jnp.int64 if jax.config.jax_enable_x64 else jnp.int32)
    exer_id = jax.random.randint(k2, (BATCH,), 0, EXER_N, dtype=jnp.int64 if jax.config.jax_enable_x64 else jnp.int32)
    # xavier_normal_ for [V, 1] embedding: std = sqrt(2 / (V + 1))
    student_emb = jax.random.normal(k3, (STUDENT_N, 1), dtype=jnp.float32) * np.sqrt(2.0 / (STUDENT_N + 1))
    k_difficulty = jax.random.normal(k4, (EXER_N, 1), dtype=jnp.float32) * np.sqrt(2.0 / (EXER_N + 1))
    e_discrimination = jax.random.normal(k5, (EXER_N, 1), dtype=jnp.float32) * np.sqrt(2.0 / (EXER_N + 1))
    return {"stu_id": stu_id, "exer_id": exer_id,
            "student_emb": student_emb, "k_difficulty": k_difficulty,
            "e_discrimination": e_discrimination}

def reference(stu_id, exer_id, student_emb, k_difficulty, e_discrimination):
    stu_emb = jax.nn.sigmoid(jnp.take(student_emb, stu_id, axis=0))
    k_diff = jax.nn.sigmoid(jnp.take(k_difficulty, exer_id, axis=0))
    e_disc = jax.nn.sigmoid(jnp.take(e_discrimination, exer_id, axis=0)) * 10.0
    input_x = e_disc * (stu_emb - k_diff)
    output = jax.nn.sigmoid(input_x)
    return output

if __name__ == "__main__":
    import jax
    _d = setup_inputs()
    print(jax.jit(kernel)(*tuple(_d.values())))

</pallas_src>

<mosaic_0001>
#map = affine_map<(d0, d1) -> (0)>
module attributes {stable_mosaic.version = 14 : i64} {
  func.func @exer_kernel(%arg0: i32, %arg1: i32, %arg2: memref<16384xi32, #tpu.memory_space<hbm>>, %arg3: memref<100000xf32, #tpu.memory_space<hbm>>, %arg4: memref<100000xf32, #tpu.memory_space<hbm>>, %arg5: memref<16384xf32, #tpu.memory_space<hbm>>, %arg6: memref<16384xf32, #tpu.memory_space<hbm>>, %arg7: memref<512xi32, #tpu.memory_space<vmem>>, %arg8: memref<512xf32, #tpu.memory_space<vmem>>, %arg9: memref<512xf32, #tpu.memory_space<vmem>>, %arg10: memref<512xf32, #tpu.memory_space<vmem>>, %arg11: memref<512xf32, #tpu.memory_space<vmem>>, %arg12: memref<!tpu.dma_semaphore, #tpu.memory_space<semaphore_mem>>, %arg13: memref<!tpu.dma_semaphore, #tpu.memory_space<semaphore_mem>>) attributes {dimension_semantics = [#tpu.dimension_semantics<core_parallel>, #tpu.dimension_semantics<subcore_parallel>], iteration_bounds = array<i64: 2, 16>, scalar_prefetch = 0 : i64, scratch_operands = 7 : i64, tpu.core_type = #tpu.core_type<sc_vector_subcore>, window_params = [{transform_indices = #map}, {transform_indices = #map}, {transform_indices = #map}, {transform_indices = #map}, {transform_indices = #map}]} {
    %mul3A = arith.constant 2 : i32
    %mul3A_0 = arith.muli %arg1, %mul3A : i32
    %add3A = arith.addi %mul3A_0, %arg0 : i32
    %mul3A_1 = arith.constant 512 : i32
    %mul3A_2 = arith.muli %add3A, %mul3A_1 : i32
    "tpu.region"() ({
      %run_scoped3A = tpu.sem_alloc : memref<!tpu.dma_semaphore, #tpu.memory_space<semaphore_mem>>
      %dma_start3A_14 = tpu.memref_slice %arg2[%mul3A_2] : memref<16384xi32, #tpu.memory_space<hbm>> -> memref<512xi32, #tpu.memory_space<hbm>>
      %dma_start3A_15 = tpu.memref_slice %arg2[%mul3A_2] : memref<16384xi32, #tpu.memory_space<hbm>> -> memref<512xi32, #tpu.memory_space<hbm>>
      tpu.enqueue_dma source(%dma_start3A_15 : memref<512xi32, #tpu.memory_space<hbm>>) target(%arg7 : memref<512xi32, #tpu.memory_space<vmem>>) target_semaphore(%run_scoped3A : memref<!tpu.dma_semaphore, #tpu.memory_space<semaphore_mem>>)
      %dma_wait3A_16 = tpu.memref_slice %arg2[%mul3A_2] : memref<16384xi32, #tpu.memory_space<hbm>> -> memref<512xi32, #tpu.memory_space<hbm>>
      %dma_wait3A_17 = tpu.memref_slice %arg2[%mul3A_2] : memref<16384xi32, #tpu.memory_space<hbm>> -> memref<512xi32, #tpu.memory_space<hbm>>
      tpu.wait_dma2 semaphore(%run_scoped3A : memref<!tpu.dma_semaphore, #tpu.memory_space<semaphore_mem>>) src(%dma_wait3A_17 : memref<512xi32, #tpu.memory_space<hbm>>) dst(%arg7 : memref<512xi32, #tpu.memory_space<vmem>>)
      tpu.yield
    }) : () -> ()
    %dma_start3A = arith.constant 0 : i32
    %dma_start3A_3 = tpu.memref_slice %arg3[%dma_start3A] : memref<100000xf32, #tpu.memory_space<hbm>> -> memref<100000xf32, #tpu.memory_space<hbm>>
    tpu.enqueue_indirect_dma source(%dma_start3A_3 : memref<100000xf32, #tpu.memory_space<hbm>>) target(%arg8 : memref<512xf32, #tpu.memory_space<vmem>>) offsets(%arg7 : memref<512xi32, #tpu.memory_space<vmem>>) semaphore(%arg12 : memref<!tpu.dma_semaphore, #tpu.memory_space<semaphore_mem>>)
    %dma_start3A_4 = arith.constant 0 : i32
    %dma_start3A_5 = tpu.memref_slice %arg4[%dma_start3A_4] : memref<100000xf32, #tpu.memory_space<hbm>> -> memref<100000xf32, #tpu.memory_space<hbm>>
    tpu.enqueue_indirect_dma source(%dma_start3A_5 : memref<100000xf32, #tpu.memory_space<hbm>>) target(%arg9 : memref<512xf32, #tpu.memory_space<vmem>>) offsets(%arg7 : memref<512xi32, #tpu.memory_space<vmem>>) semaphore(%arg13 : memref<!tpu.dma_semaphore, #tpu.memory_space<semaphore_mem>>)
    %dma_wait3A = arith.constant 0 : i32
    %dma_wait3A_6 = tpu.memref_slice %arg3[%dma_wait3A] : memref<100000xf32, #tpu.memory_space<hbm>> -> memref<100000xf32, #tpu.memory_space<hbm>>
    tpu.wait_indirect_dma semaphore(%arg12 : memref<!tpu.dma_semaphore, #tpu.memory_space<semaphore_mem>>) src(%dma_wait3A_6 : memref<100000xf32, #tpu.memory_space<hbm>>) dst(%arg8 : memref<512xf32, #tpu.memory_space<vmem>>)
    %dma_wait3A_7 = arith.constant 0 : i32
    %dma_wait3A_8 = tpu.memref_slice %arg4[%dma_wait3A_7] : memref<100000xf32, #tpu.memory_space<hbm>> -> memref<100000xf32, #tpu.memory_space<hbm>>
    tpu.wait_indirect_dma semaphore(%arg13 : memref<!tpu.dma_semaphore, #tpu.memory_space<semaphore_mem>>) src(%dma_wait3A_8 : memref<100000xf32, #tpu.memory_space<hbm>>) dst(%arg9 : memref<512xf32, #tpu.memory_space<vmem>>)
    %scan3A = arith.constant 0 : i32
    %scan3A_9 = arith.constant 0 : i32
    %scan3A_10 = arith.constant 32 : i32
    %scan3A_11 = arith.addi %scan3A_9, %scan3A_10 : i32
    %scan3A_12 = arith.constant 4 : i32
    scf.for %scan3A_14 = %scan3A_9 to %scan3A_11 step %scan3A_12  : i32 {
      %mul3A_15 = arith.constant 16 : i32
      %mul3A_16 = arith.muli %scan3A_14, %mul3A_15 : i32
      %get3A = arith.index_cast %mul3A_16 : i32 to index
      %get3A_17 = tpu.vector_load %arg9[%get3A] {strides = array<i32>} : memref<512xf32, #tpu.memory_space<vmem>>, vector<16xf32>,
      %get3A_18 = vector.shape_cast %get3A_17 : vector<16xf32> to vector<16xf32>
      %neg3A = arith.constant 0.000000e+00 : f32
      %neg3A_19 = vector.broadcast %neg3A : f32 to vector<16xf32>
      %neg3A_20 = arith.subf %neg3A_19, %get3A_18 : vector<16xf32>
      %exp3A = math.exp %neg3A_20 : vector<16xf32>
      %add3A_21 = arith.constant 1.000000e+00 : f32
      %add3A_22 = vector.broadcast %add3A_21 : f32 to vector<16xf32>
      %add3A_23 = arith.addf %add3A_22, %exp3A : vector<16xf32>
      %div3A = arith.constant 1.000000e+00 : f32
      %div3A_24 = vector.broadcast %div3A : f32 to vector<16xf32>
      %div3A_25 = arith.divf %div3A_24, %add3A_23 : vector<16xf32>
      %mul3A_26 = arith.constant 1.000000e+01 : f32
      %mul3A_27 = vector.broadcast %mul3A_26 : f32 to vector<16xf32>
      %mul3A_28 = arith.mulf %div3A_25, %mul3A_27 : vector<16xf32>
      %swap3A = arith.index_cast %mul3A_16 : i32 to index
      %swap3A_29 = tpu.vector_load %arg10[%swap3A] {strides = array<i32>} : memref<512xf32, #tpu.memory_space<vmem>>, vector<16xf32>,
      %swap3A_30 = vector.shape_cast %swap3A_29 : vector<16xf32> to vector<16xf32>
      %swap3A_31 = vector.shape_cast %mul3A_28 : vector<16xf32> to vector<16xf32>
      tpu.vector_store %arg10[%swap3A], %swap3A_31 {strides = array<i32>} : memref<512xf32, #tpu.memory_space<vmem>>, vector<16xf32>,
      %get3A_32 = arith.index_cast %mul3A_16 : i32 to index
      %get3A_33 = tpu.vector_load %arg8[%get3A_32] {strides = array<i32>} : memref<512xf32, #tpu.memory_space<vmem>>, vector<16xf32>,
      %get3A_34 = vector.shape_cast %get3A_33 : vector<16xf32> to vector<16xf32>
      %neg3A_35 = arith.constant 0.000000e+00 : f32
      %neg3A_36 = vector.broadcast %neg3A_35 : f32 to vector<16xf32>
      %neg3A_37 = arith.subf %neg3A_36, %get3A_34 : vector<16xf32>
      %exp3A_38 = math.exp %neg3A_37 : vector<16xf32>
      %add3A_39 = arith.constant 1.000000e+00 : f32
      %add3A_40 = vector.broadcast %add3A_39 : f32 to vector<16xf32>
      %add3A_41 = arith.addf %add3A_40, %exp3A_38 : vector<16xf32>
      %div3A_42 = arith.constant 1.000000e+00 : f32
      %div3A_43 = vector.broadcast %div3A_42 : f32 to vector<16xf32>
      %div3A_44 = arith.divf %div3A_43, %add3A_41 : vector<16xf32>
      %swap3A_45 = arith.index_cast %mul3A_16 : i32 to index
      %swap3A_46 = tpu.vector_load %arg11[%swap3A_45] {strides = array<i32>} : memref<512xf32, #tpu.memory_space<vmem>>, vector<16xf32>,
      %swap3A_47 = vector.shape_cast %swap3A_46 : vector<16xf32> to vector<16xf32>
      %swap3A_48 = vector.shape_cast %div3A_44 : vector<16xf32> to vector<16xf32>
      tpu.vector_store %arg11[%swap3A_45], %swap3A_48 {strides = array<i32>} : memref<512xf32, #tpu.memory_space<vmem>>, vector<16xf32>,
      %scan3A_49 = arith.constant 1 : i32
      %scan3A_50 = arith.addi %scan3A_14, %scan3A_49 : i32
      %mul3A_51 = arith.constant 16 : i32
      %mul3A_52 = arith.muli %scan3A_50, %mul3A_51 : i32
      %get3A_53 = arith.index_cast %mul3A_52 : i32 to index
      %get3A_54 = tpu.vector_load %arg9[%get3A_53] {strides = array<i32>} : memref<512xf32, #tpu.memory_space<vmem>>, vector<16xf32>,
      %get3A_55 = vector.shape_cast %get3A_54 : vector<16xf32> to vector<16xf32>
      %neg3A_56 = arith.constant 0.000000e+00 : f32
      %neg3A_57 = vector.broadcast %neg3A_56 : f32 to vector<16xf32>
      %neg3A_58 = arith.subf %neg3A_57, %get3A_55 : vector<16xf32>
      %exp3A_59 = math.exp %neg3A_58 : vector<16xf32>
      %add3A_60 = arith.constant 1.000000e+00 : f32
      %add3A_61 = vector.broadcast %add3A_60 : f32 to vector<16xf32>
      %add3A_62 = arith.addf %add3A_61, %exp3A_59 : vector<16xf32>
      %div3A_63 = arith.constant 1.000000e+00 : f32
      %div3A_64 = vector.broadcast %div3A_63 : f32 to vector<16xf32>
      %div3A_65 = arith.divf %div3A_64, %add3A_62 : vector<16xf32>
      %mul3A_66 = arith.constant 1.000000e+01 : f32
      %mul3A_67 = vector.broadcast %mul3A_66 : f32 to vector<16xf32>
      %mul3A_68 = arith.mulf %div3A_65, %mul3A_67 : vector<16xf32>
      %swap3A_69 = arith.index_cast %mul3A_52 : i32 to index
      %swap3A_70 = tpu.vector_load %arg10[%swap3A_69] {strides = array<i32>} : memref<512xf32, #tpu.memory_space<vmem>>, vector<16xf32>,
      %swap3A_71 = vector.shape_cast %swap3A_70 : vector<16xf32> to vector<16xf32>
      %swap3A_72 = vector.shape_cast %mul3A_68 : vector<16xf32> to vector<16xf32>
      tpu.vector_store %arg10[%swap3A_69], %swap3A_72 {strides = array<i32>} : memref<512xf32, #tpu.memory_space<vmem>>, vector<16xf32>,
      %get3A_73 = arith.index_cast %mul3A_52 : i32 to index
      %get3A_74 = tpu.vector_load %arg8[%get3A_73] {strides = array<i32>} : memref<512xf32, #tpu.memory_space<vmem>>, vector<16xf32>,
      %get3A_75 = vector.shape_cast %get3A_74 : vector<16xf32> to vector<16xf32>
      %neg3A_76 = arith.constant 0.000000e+00 : f32
      %neg3A_77 = vector.broadcast %neg3A_76 : f32 to vector<16xf32>
      %neg3A_78 = arith.subf %neg3A_77, %get3A_75 : vector<16xf32>
      %exp3A_79 = math.exp %neg3A_78 : vector<16xf32>
      %add3A_80 = arith.constant 1.000000e+00 : f32
      %add3A_81 = vector.broadcast %add3A_80 : f32 to vector<16xf32>
      %add3A_82 = arith.addf %add3A_81, %exp3A_79 : vector<16xf32>
      %div3A_83 = arith.constant 1.000000e+00 : f32
      %div3A_84 = vector.broadcast %div3A_83 : f32 to vector<16xf32>
      %div3A_85 = arith.divf %div3A_84, %add3A_82 : vector<16xf32>
      %swap3A_86 = arith.index_cast %mul3A_52 : i32 to index
      %swap3A_87 = tpu.vector_load %arg11[%swap3A_86] {strides = array<i32>} : memref<512xf32, #tpu.memory_space<vmem>>, vector<16xf32>,
      %swap3A_88 = vector.shape_cast %swap3A_87 : vector<16xf32> to vector<16xf32>
      %swap3A_89 = vector.shape_cast %div3A_85 : vector<16xf32> to vector<16xf32>
      tpu.vector_store %arg11[%swap3A_86], %swap3A_89 {strides = array<i32>} : memref<512xf32, #tpu.memory_space<vmem>>, vector<16xf32>,
      %scan3A_90 = arith.constant 2 : i32
      %scan3A_91 = arith.addi %scan3A_14, %scan3A_90 : i32
      %mul3A_92 = arith.constant 16 : i32
      %mul3A_93 = arith.muli %scan3A_91, %mul3A_92 : i32
      %get3A_94 = arith.index_cast %mul3A_93 : i32 to index
      %get3A_95 = tpu.vector_load %arg9[%get3A_94] {strides = array<i32>} : memref<512xf32, #tpu.memory_space<vmem>>, vector<16xf32>,
      %get3A_96 = vector.shape_cast %get3A_95 : vector<16xf32> to vector<16xf32>
      %neg3A_97 = arith.constant 0.000000e+00 : f32
      %neg3A_98 = vector.broadcast %neg3A_97 : f32 to vector<16xf32>
      %neg3A_99 = arith.subf %neg3A_98, %get3A_96 : vector<16xf32>
      %exp3A_100 = math.exp %neg3A_99 : vector<16xf32>
      %add3A_101 = arith.constant 1.000000e+00 : f32
      %add3A_102 = vector.broadcast %add3A_101 : f32 to vector<16xf32>
      %add3A_103 = arith.addf %add3A_102, %exp3A_100 : vector<16xf32>
      %div3A_104 = arith.constant 1.000000e+00 : f32
      %div3A_105 = vector.broadcast %div3A_104 : f32 to vector<16xf32>
      %div3A_106 = arith.divf %div3A_105, %add3A_103 : vector<16xf32>
      %mul3A_107 = arith.constant 1.000000e+01 : f32
      %mul3A_108 = vector.broadcast %mul3A_107 : f32 to vector<16xf32>
      %mul3A_109 = arith.mulf %div3A_106, %mul3A_108 : vector<16xf32>
      %swap3A_110 = arith.index_cast %mul3A_93 : i32 to index
      %swap3A_111 = tpu.vector_load %arg10[%swap3A_110] {strides = array<i32>} : memref<512xf32, #tpu.memory_space<vmem>>, vector<16xf32>,
      %swap3A_112 = vector.shape_cast %swap3A_111 : vector<16xf32> to vector<16xf32>
      %swap3A_113 = vector.shape_cast %mul3A_109 : vector<16xf32> to vector<16xf32>
      tpu.vector_store %arg10[%swap3A_110], %swap3A_113 {strides = array<i32>} : memref<512xf32, #tpu.memory_space<vmem>>, vector<16xf32>,
      %get3A_114 = arith.index_cast %mul3A_93 : i32 to index
      %get3A_115 = tpu.vector_load %arg8[%get3A_114] {strides = array<i32>} : memref<512xf32, #tpu.memory_space<vmem>>, vector<16xf32>,
      %get3A_116 = vector.shape_cast %get3A_115 : vector<16xf32> to vector<16xf32>
      %neg3A_117 = arith.constant 0.000000e+00 : f32
      %neg3A_118 = vector.broadcast %neg3A_117 : f32 to vector<16xf32>
      %neg3A_119 = arith.subf %neg3A_118, %get3A_116 : vector<16xf32>
      %exp3A_120 = math.exp %neg3A_119 : vector<16xf32>
      %add3A_121 = arith.constant 1.000000e+00 : f32
      %add3A_122 = vector.broadcast %add3A_121 : f32 to vector<16xf32>
      %add3A_123 = arith.addf %add3A_122, %exp3A_120 : vector<16xf32>
      %div3A_124 = arith.constant 1.000000e+00 : f32
      %div3A_125 = vector.broadcast %div3A_124 : f32 to vector<16xf32>
      %div3A_126 = arith.divf %div3A_125, %add3A_123 : vector<16xf32>
      %swap3A_127 = arith.index_cast %mul3A_93 : i32 to index
      %swap3A_128 = tpu.vector_load %arg11[%swap3A_127] {strides = array<i32>} : memref<512xf32, #tpu.memory_space<vmem>>, vector<16xf32>,
      %swap3A_129 = vector.shape_cast %swap3A_128 : vector<16xf32> to vector<16xf32>
      %swap3A_130 = vector.shape_cast %div3A_126 : vector<16xf32> to vector<16xf32>
      tpu.vector_store %arg11[%swap3A_127], %swap3A_130 {strides = array<i32>} : memref<512xf32, #tpu.memory_space<vmem>>, vector<16xf32>,
      %scan3A_131 = arith.constant 3 : i32
      %scan3A_132 = arith.addi %scan3A_14, %scan3A_131 : i32
      %mul3A_133 = arith.constant 16 : i32
      %mul3A_134 = arith.muli %scan3A_132, %mul3A_133 : i32
      %get3A_135 = arith.index_cast %mul3A_134 : i32 to index
      %get3A_136 = tpu.vector_load %arg9[%get3A_135] {strides = array<i32>} : memref<512xf32, #tpu.memory_space<vmem>>, vector<16xf32>,
      %get3A_137 = vector.shape_cast %get3A_136 : vector<16xf32> to vector<16xf32>
      %neg3A_138 = arith.constant 0.000000e+00 : f32
      %neg3A_139 = vector.broadcast %neg3A_138 : f32 to vector<16xf32>
      %neg3A_140 = arith.subf %neg3A_139, %get3A_137 : vector<16xf32>
      %exp3A_141 = math.exp %neg3A_140 : vector<16xf32>
      %add3A_142 = arith.constant 1.000000e+00 : f32
      %add3A_143 = vector.broadcast %add3A_142 : f32 to vector<16xf32>
      %add3A_144 = arith.addf %add3A_143, %exp3A_141 : vector<16xf32>
      %div3A_145 = arith.constant 1.000000e+00 : f32
      %div3A_146 = vector.broadcast %div3A_145 : f32 to vector<16xf32>
      %div3A_147 = arith.divf %div3A_146, %add3A_144 : vector<16xf32>
      %mul3A_148 = arith.constant 1.000000e+01 : f32
      %mul3A_149 = vector.broadcast %mul3A_148 : f32 to vector<16xf32>
      %mul3A_150 = arith.mulf %div3A_147, %mul3A_149 : vector<16xf32>
      %swap3A_151 = arith.index_cast %mul3A_134 : i32 to index
      %swap3A_152 = tpu.vector_load %arg10[%swap3A_151] {strides = array<i32>} : memref<512xf32, #tpu.memory_space<vmem>>, vector<16xf32>,
      %swap3A_153 = vector.shape_cast %swap3A_152 : vector<16xf32> to vector<16xf32>
      %swap3A_154 = vector.shape_cast %mul3A_150 : vector<16xf32> to vector<16xf32>
      tpu.vector_store %arg10[%swap3A_151], %swap3A_154 {strides = array<i32>} : memref<512xf32, #tpu.memory_space<vmem>>, vector<16xf32>,
      %get3A_155 = arith.index_cast %mul3A_134 : i32 to index
      %get3A_156 = tpu.vector_load %arg8[%get3A_155] {strides = array<i32>} : memref<512xf32, #tpu.memory_space<vmem>>, vector<16xf32>,
      %get3A_157 = vector.shape_cast %get3A_156 : vector<16xf32> to vector<16xf32>
      %neg3A_158 = arith.constant 0.000000e+00 : f32
      %neg3A_159 = vector.broadcast %neg3A_158 : f32 to vector<16xf32>
      %neg3A_160 = arith.subf %neg3A_159, %get3A_157 : vector<16xf32>
      %exp3A_161 = math.exp %neg3A_160 : vector<16xf32>
      %add3A_162 = arith.constant 1.000000e+00 : f32
      %add3A_163 = vector.broadcast %add3A_162 : f32 to vector<16xf32>
      %add3A_164 = arith.addf %add3A_163, %exp3A_161 : vector<16xf32>
      %div3A_165 = arith.constant 1.000000e+00 : f32
      %div3A_166 = vector.broadcast %div3A_165 : f32 to vector<16xf32>
      %div3A_167 = arith.divf %div3A_166, %add3A_164 : vector<16xf32>
      %swap3A_168 = arith.index_cast %mul3A_134 : i32 to index
      %swap3A_169 = tpu.vector_load %arg11[%swap3A_168] {strides = array<i32>} : memref<512xf32, #tpu.memory_space<vmem>>, vector<16xf32>,
      %swap3A_170 = vector.shape_cast %swap3A_169 : vector<16xf32> to vector<16xf32>
      %swap3A_171 = vector.shape_cast %div3A_167 : vector<16xf32> to vector<16xf32>
      tpu.vector_store %arg11[%swap3A_168], %swap3A_171 {strides = array<i32>} : memref<512xf32, #tpu.memory_space<vmem>>, vector<16xf32>,
    }
    %scan3A_13 = arith.constant 32 : i32
    "tpu.region"() ({
      %run_scoped3A = tpu.sem_alloc : memref<!tpu.dma_semaphore, #tpu.memory_space<semaphore_mem>>
      %dma_start3A_14 = tpu.memref_slice %arg5[%mul3A_2] : memref<16384xf32, #tpu.memory_space<hbm>> -> memref<512xf32, #tpu.memory_space<hbm>>
      %dma_start3A_15 = tpu.memref_slice %arg5[%mul3A_2] : memref<16384xf32, #tpu.memory_space<hbm>> -> memref<512xf32, #tpu.memory_space<hbm>>
      tpu.enqueue_dma source(%arg10 : memref<512xf32, #tpu.memory_space<vmem>>) target(%dma_start3A_15 : memref<512xf32, #tpu.memory_space<hbm>>) target_semaphore(%run_scoped3A : memref<!tpu.dma_semaphore, #tpu.memory_space<semaphore_mem>>)
      %dma_wait3A_16 = tpu.memref_slice %arg5[%mul3A_2] : memref<16384xf32, #tpu.memory_space<hbm>> -> memref<512xf32, #tpu.memory_space<hbm>>
      %dma_wait3A_17 = tpu.memref_slice %arg5[%mul3A_2] : memref<16384xf32, #tpu.memory_space<hbm>> -> memref<512xf32, #tpu.memory_space<hbm>>
      tpu.wait_dma2 semaphore(%run_scoped3A : memref<!tpu.dma_semaphore, #tpu.memory_space<semaphore_mem>>) src(%arg10 : memref<512xf32, #tpu.memory_space<vmem>>) dst(%dma_wait3A_17 : memref<512xf32, #tpu.memory_space<hbm>>)
      tpu.yield
    }) : () -> ()
    "tpu.region"() ({
      %run_scoped3A = tpu.sem_alloc : memref<!tpu.dma_semaphore, #tpu.memory_space<semaphore_mem>>
      %dma_start3A_14 = tpu.memref_slice %arg6[%mul3A_2] : memref<16384xf32, #tpu.memory_space<hbm>> -> memref<512xf32, #tpu.memory_space<hbm>>
      %dma_start3A_15 = tpu.memref_slice %arg6[%mul3A_2] : memref<16384xf32, #tpu.memory_space<hbm>> -> memref<512xf32, #tpu.memory_space<hbm>>
      tpu.enqueue_dma source(%arg11 : memref<512xf32, #tpu.memory_space<vmem>>) target(%dma_start3A_15 : memref<512xf32, #tpu.memory_space<hbm>>) target_semaphore(%run_scoped3A : memref<!tpu.dma_semaphore, #tpu.memory_space<semaphore_mem>>)
      %dma_wait3A_16 = tpu.memref_slice %arg6[%mul3A_2] : memref<16384xf32, #tpu.memory_space<hbm>> -> memref<512xf32, #tpu.memory_space<hbm>>
      %dma_wait3A_17 = tpu.memref_slice %arg6[%mul3A_2] : memref<16384xf32, #tpu.memory_space<hbm>> -> memref<512xf32, #tpu.memory_space<hbm>>
      tpu.wait_dma2 semaphore(%run_scoped3A : memref<!tpu.dma_semaphore, #tpu.memory_space<semaphore_mem>>) src(%arg11 : memref<512xf32, #tpu.memory_space<vmem>>) dst(%dma_wait3A_17 : memref<512xf32, #tpu.memory_space<hbm>>)
      tpu.yield
    }) : () -> ()
    return
  }
}

#map = affine_map<(d0, d1) -> (0)>
module attributes {stable_mosaic.version = 14 : i64} {
  func.func @stu_kernel(%arg0: i32, %arg1: i32, %arg2: memref<16384xi32, #tpu.memory_space<hbm>>, %arg3: memref<1000000xf32, #tpu.memory_space<hbm>>, %arg4: memref<16384xf32, #tpu.memory_space<hbm>>, %arg5: memref<16384xf32, #tpu.memory_space<hbm>>, %arg6: memref<16384xf32, #tpu.memory_space<hbm>>, %arg7: memref<512xi32, #tpu.memory_space<vmem>>, %arg8: memref<512xf32, #tpu.memory_space<vmem>>, %arg9: memref<512xf32, #tpu.memory_space<vmem>>, %arg10: memref<512xf32, #tpu.memory_space<vmem>>, %arg11: memref<512xf32, #tpu.memory_space<vmem>>, %arg12: memref<!tpu.dma_semaphore, #tpu.memory_space<semaphore_mem>>) attributes {dimension_semantics = [#tpu.dimension_semantics<core_parallel>, #tpu.dimension_semantics<subcore_parallel>], iteration_bounds = array<i64: 2, 16>, scalar_prefetch = 0 : i64, scratch_operands = 6 : i64, tpu.core_type = #tpu.core_type<sc_vector_subcore>, window_params = [{transform_indices = #map}, {transform_indices = #map}, {transform_indices = #map}, {transform_indices = #map}, {transform_indices = #map}]} {
    %mul3A = arith.constant 2 : i32
    %mul3A_0 = arith.muli %arg1, %mul3A : i32
    %add3A = arith.addi %mul3A_0, %arg0 : i32
    %mul3A_1 = arith.constant 512 : i32
    %mul3A_2 = arith.muli %add3A, %mul3A_1 : i32
    "tpu.region"() ({
      %run_scoped3A = tpu.sem_alloc : memref<!tpu.dma_semaphore, #tpu.memory_space<semaphore_mem>>
      %dma_start3A_10 = tpu.memref_slice %arg2[%mul3A_2] : memref<16384xi32, #tpu.memory_space<hbm>> -> memref<512xi32, #tpu.memory_space<hbm>>
      %dma_start3A_11 = tpu.memref_slice %arg2[%mul3A_2] : memref<16384xi32, #tpu.memory_space<hbm>> -> memref<512xi32, #tpu.memory_space<hbm>>
      tpu.enqueue_dma source(%dma_start3A_11 : memref<512xi32, #tpu.memory_space<hbm>>) target(%arg7 : memref<512xi32, #tpu.memory_space<vmem>>) target_semaphore(%run_scoped3A : memref<!tpu.dma_semaphore, #tpu.memory_space<semaphore_mem>>)
      %dma_wait3A_12 = tpu.memref_slice %arg2[%mul3A_2] : memref<16384xi32, #tpu.memory_space<hbm>> -> memref<512xi32, #tpu.memory_space<hbm>>
      %dma_wait3A_13 = tpu.memref_slice %arg2[%mul3A_2] : memref<16384xi32, #tpu.memory_space<hbm>> -> memref<512xi32, #tpu.memory_space<hbm>>
      tpu.wait_dma2 semaphore(%run_scoped3A : memref<!tpu.dma_semaphore, #tpu.memory_space<semaphore_mem>>) src(%dma_wait3A_13 : memref<512xi32, #tpu.memory_space<hbm>>) dst(%arg7 : memref<512xi32, #tpu.memory_space<vmem>>)
      tpu.yield
    }) : () -> ()
    %dma_start3A = arith.constant 0 : i32
    %dma_start3A_3 = tpu.memref_slice %arg3[%dma_start3A] : memref<1000000xf32, #tpu.memory_space<hbm>> -> memref<1000000xf32, #tpu.memory_space<hbm>>
    tpu.enqueue_indirect_dma source(%dma_start3A_3 : memref<1000000xf32, #tpu.memory_space<hbm>>) target(%arg8 : memref<512xf32, #tpu.memory_space<vmem>>) offsets(%arg7 : memref<512xi32, #tpu.memory_space<vmem>>) semaphore(%arg12 : memref<!tpu.dma_semaphore, #tpu.memory_space<semaphore_mem>>)
    "tpu.region"() ({
      %run_scoped3A = tpu.sem_alloc : memref<!tpu.dma_semaphore, #tpu.memory_space<semaphore_mem>>
      %dma_start3A_10 = tpu.memref_slice %arg4[%mul3A_2] : memref<16384xf32, #tpu.memory_space<hbm>> -> memref<512xf32, #tpu.memory_space<hbm>>
      %dma_start3A_11 = tpu.memref_slice %arg4[%mul3A_2] : memref<16384xf32, #tpu.memory_space<hbm>> -> memref<512xf32, #tpu.memory_space<hbm>>
      tpu.enqueue_dma source(%dma_start3A_11 : memref<512xf32, #tpu.memory_space<hbm>>) target(%arg9 : memref<512xf32, #tpu.memory_space<vmem>>) target_semaphore(%run_scoped3A : memref<!tpu.dma_semaphore, #tpu.memory_space<semaphore_mem>>)
      %dma_wait3A_12 = tpu.memref_slice %arg4[%mul3A_2] : memref<16384xf32, #tpu.memory_space<hbm>> -> memref<512xf32, #tpu.memory_space<hbm>>
      %dma_wait3A_13 = tpu.memref_slice %arg4[%mul3A_2] : memref<16384xf32, #tpu.memory_space<hbm>> -> memref<512xf32, #tpu.memory_space<hbm>>
      tpu.wait_dma2 semaphore(%run_scoped3A : memref<!tpu.dma_semaphore, #tpu.memory_space<semaphore_mem>>) src(%dma_wait3A_13 : memref<512xf32, #tpu.memory_space<hbm>>) dst(%arg9 : memref<512xf32, #tpu.memory_space<vmem>>)
      tpu.yield
    }) : () -> ()
    "tpu.region"() ({
      %run_scoped3A = tpu.sem_alloc : memref<!tpu.dma_semaphore, #tpu.memory_space<semaphore_mem>>
      %dma_start3A_10 = tpu.memref_slice %arg5[%mul3A_2] : memref<16384xf32, #tpu.memory_space<hbm>> -> memref<512xf32, #tpu.memory_space<hbm>>
      %dma_start3A_11 = tpu.memref_slice %arg5[%mul3A_2] : memref<16384xf32, #tpu.memory_space<hbm>> -> memref<512xf32, #tpu.memory_space<hbm>>
      tpu.enqueue_dma source(%dma_start3A_11 : memref<512xf32, #tpu.memory_space<hbm>>) target(%arg10 : memref<512xf32, #tpu.memory_space<vmem>>) target_semaphore(%run_scoped3A : memref<!tpu.dma_semaphore, #tpu.memory_space<semaphore_mem>>)
      %dma_wait3A_12 = tpu.memref_slice %arg5[%mul3A_2] : memref<16384xf32, #tpu.memory_space<hbm>> -> memref<512xf32, #tpu.memory_space<hbm>>
      %dma_wait3A_13 = tpu.memref_slice %arg5[%mul3A_2] : memref<16384xf32, #tpu.memory_space<hbm>> -> memref<512xf32, #tpu.memory_space<hbm>>
      tpu.wait_dma2 semaphore(%run_scoped3A : memref<!tpu.dma_semaphore, #tpu.memory_space<semaphore_mem>>) src(%dma_wait3A_13 : memref<512xf32, #tpu.memory_space<hbm>>) dst(%arg10 : memref<512xf32, #tpu.memory_space<vmem>>)
      tpu.yield
    }) : () -> ()
    %dma_wait3A = arith.constant 0 : i32
    %dma_wait3A_4 = tpu.memref_slice %arg3[%dma_wait3A] : memref<1000000xf32, #tpu.memory_space<hbm>> -> memref<1000000xf32, #tpu.memory_space<hbm>>
    tpu.wait_indirect_dma semaphore(%arg12 : memref<!tpu.dma_semaphore, #tpu.memory_space<semaphore_mem>>) src(%dma_wait3A_4 : memref<1000000xf32, #tpu.memory_space<hbm>>) dst(%arg8 : memref<512xf32, #tpu.memory_space<vmem>>)
    %scan3A = arith.constant 0 : i32
    %scan3A_5 = arith.constant 0 : i32
    %scan3A_6 = arith.constant 32 : i32
    %scan3A_7 = arith.addi %scan3A_5, %scan3A_6 : i32
    %scan3A_8 = arith.constant 4 : i32
    scf.for %scan3A_10 = %scan3A_5 to %scan3A_7 step %scan3A_8  : i32 {
      %mul3A_11 = arith.constant 16 : i32
      %mul3A_12 = arith.muli %scan3A_10, %mul3A_11 : i32
      %get3A = arith.index_cast %mul3A_12 : i32 to index
      %get3A_13 = tpu.vector_load %arg9[%get3A] {strides = array<i32>} : memref<512xf32, #tpu.memory_space<vmem>>, vector<16xf32>,
      %get3A_14 = vector.shape_cast %get3A_13 : vector<16xf32> to vector<16xf32>
      %get3A_15 = arith.index_cast %mul3A_12 : i32 to index
      %get3A_16 = tpu.vector_load %arg8[%get3A_15] {strides = array<i32>} : memref<512xf32, #tpu.memory_space<vmem>>, vector<16xf32>,
      %get3A_17 = vector.shape_cast %get3A_16 : vector<16xf32> to vector<16xf32>
      %neg3A = arith.constant 0.000000e+00 : f32
      %neg3A_18 = vector.broadcast %neg3A : f32 to vector<16xf32>
      %neg3A_19 = arith.subf %neg3A_18, %get3A_17 : vector<16xf32>
      %exp3A = math.exp %neg3A_19 : vector<16xf32>
      %add3A_20 = arith.constant 1.000000e+00 : f32
      %add3A_21 = vector.broadcast %add3A_20 : f32 to vector<16xf32>
      %add3A_22 = arith.addf %add3A_21, %exp3A : vector<16xf32>
      %div3A = arith.constant 1.000000e+00 : f32
      %div3A_23 = vector.broadcast %div3A : f32 to vector<16xf32>
      %div3A_24 = arith.divf %div3A_23, %add3A_22 : vector<16xf32>
      %get3A_25 = arith.index_cast %mul3A_12 : i32 to index
      %get3A_26 = tpu.vector_load %arg10[%get3A_25] {strides = array<i32>} : memref<512xf32, #tpu.memory_space<vmem>>, vector<16xf32>,
      %get3A_27 = vector.shape_cast %get3A_26 : vector<16xf32> to vector<16xf32>
      %sub3A = arith.subf %div3A_24, %get3A_27 : vector<16xf32>
      %mul3A_28 = arith.mulf %get3A_14, %sub3A : vector<16xf32>
      %neg3A_29 = arith.constant 0.000000e+00 : f32
      %neg3A_30 = vector.broadcast %neg3A_29 : f32 to vector<16xf32>
      %neg3A_31 = arith.subf %neg3A_30, %mul3A_28 : vector<16xf32>
      %exp3A_32 = math.exp %neg3A_31 : vector<16xf32>
      %add3A_33 = arith.constant 1.000000e+00 : f32
      %add3A_34 = vector.broadcast %add3A_33 : f32 to vector<16xf32>
      %add3A_35 = arith.addf %add3A_34, %exp3A_32 : vector<16xf32>
      %div3A_36 = arith.constant 1.000000e+00 : f32
      %div3A_37 = vector.broadcast %div3A_36 : f32 to vector<16xf32>
      %div3A_38 = arith.divf %div3A_37, %add3A_35 : vector<16xf32>
      %swap3A = arith.index_cast %mul3A_12 : i32 to index
      %swap3A_39 = tpu.vector_load %arg11[%swap3A] {strides = array<i32>} : memref<512xf32, #tpu.memory_space<vmem>>, vector<16xf32>,
      %swap3A_40 = vector.shape_cast %swap3A_39 : vector<16xf32> to vector<16xf32>
      %swap3A_41 = vector.shape_cast %div3A_38 : vector<16xf32> to vector<16xf32>
      tpu.vector_store %arg11[%swap3A], %swap3A_41 {strides = array<i32>} : memref<512xf32, #tpu.memory_space<vmem>>, vector<16xf32>,
      %scan3A_42 = arith.constant 1 : i32
      %scan3A_43 = arith.addi %scan3A_10, %scan3A_42 : i32
      %mul3A_44 = arith.constant 16 : i32
      %mul3A_45 = arith.muli %scan3A_43, %mul3A_44 : i32
      %get3A_46 = arith.index_cast %mul3A_45 : i32 to index
      %get3A_47 = tpu.vector_load %arg9[%get3A_46] {strides = array<i32>} : memref<512xf32, #tpu.memory_space<vmem>>, vector<16xf32>,
      %get3A_48 = vector.shape_cast %get3A_47 : vector<16xf32> to vector<16xf32>
      %get3A_49 = arith.index_cast %mul3A_45 : i32 to index
      %get3A_50 = tpu.vector_load %arg8[%get3A_49] {strides = array<i32>} : memref<512xf32, #tpu.memory_space<vmem>>, vector<16xf32>,
      %get3A_51 = vector.shape_cast %get3A_50 : vector<16xf32> to vector<16xf32>
      %neg3A_52 = arith.constant 0.000000e+00 : f32
      %neg3A_53 = vector.broadcast %neg3A_52 : f32 to vector<16xf32>
      %neg3A_54 = arith.subf %neg3A_53, %get3A_51 : vector<16xf32>
      %exp3A_55 = math.exp %neg3A_54 : vector<16xf32>
      %add3A_56 = arith.constant 1.000000e+00 : f32
      %add3A_57 = vector.broadcast %add3A_56 : f32 to vector<16xf32>
      %add3A_58 = arith.addf %add3A_57, %exp3A_55 : vector<16xf32>
      %div3A_59 = arith.constant 1.000000e+00 : f32
      %div3A_60 = vector.broadcast %div3A_59 : f32 to vector<16xf32>
      %div3A_61 = arith.divf %div3A_60, %add3A_58 : vector<16xf32>
      %get3A_62 = arith.index_cast %mul3A_45 : i32 to index
      %get3A_63 = tpu.vector_load %arg10[%get3A_62] {strides = array<i32>} : memref<512xf32, #tpu.memory_space<vmem>>, vector<16xf32>,
      %get3A_64 = vector.shape_cast %get3A_63 : vector<16xf32> to vector<16xf32>
      %sub3A_65 = arith.subf %div3A_61, %get3A_64 : vector<16xf32>
      %mul3A_66 = arith.mulf %get3A_48, %sub3A_65 : vector<16xf32>
      %neg3A_67 = arith.constant 0.000000e+00 : f32
      %neg3A_68 = vector.broadcast %neg3A_67 : f32 to vector<16xf32>
      %neg3A_69 = arith.subf %neg3A_68, %mul3A_66 : vector<16xf32>
      %exp3A_70 = math.exp %neg3A_69 : vector<16xf32>
      %add3A_71 = arith.constant 1.000000e+00 : f32
      %add3A_72 = vector.broadcast %add3A_71 : f32 to vector<16xf32>
      %add3A_73 = arith.addf %add3A_72, %exp3A_70 : vector<16xf32>
      %div3A_74 = arith.constant 1.000000e+00 : f32
      %div3A_75 = vector.broadcast %div3A_74 : f32 to vector<16xf32>
      %div3A_76 = arith.divf %div3A_75, %add3A_73 : vector<16xf32>
      %swap3A_77 = arith.index_cast %mul3A_45 : i32 to index
      %swap3A_78 = tpu.vector_load %arg11[%swap3A_77] {strides = array<i32>} : memref<512xf32, #tpu.memory_space<vmem>>, vector<16xf32>,
      %swap3A_79 = vector.shape_cast %swap3A_78 : vector<16xf32> to vector<16xf32>
      %swap3A_80 = vector.shape_cast %div3A_76 : vector<16xf32> to vector<16xf32>
      tpu.vector_store %arg11[%swap3A_77], %swap3A_80 {strides = array<i32>} : memref<512xf32, #tpu.memory_space<vmem>>, vector<16xf32>,
      %scan3A_81 = arith.constant 2 : i32
      %scan3A_82 = arith.addi %scan3A_10, %scan3A_81 : i32
      %mul3A_83 = arith.constant 16 : i32
      %mul3A_84 = arith.muli %scan3A_82, %mul3A_83 : i32
      %get3A_85 = arith.index_cast %mul3A_84 : i32 to index
      %get3A_86 = tpu.vector_load %arg9[%get3A_85] {strides = array<i32>} : memref<512xf32, #tpu.memory_space<vmem>>, vector<16xf32>,
      %get3A_87 = vector.shape_cast %get3A_86 : vector<16xf32> to vector<16xf32>
      %get3A_88 = arith.index_cast %mul3A_84 : i32 to index
      %get3A_89 = tpu.vector_load %arg8[%get3A_88] {strides = array<i32>} : memref<512xf32, #tpu.memory_space<vmem>>, vector<16xf32>,
      %get3A_90 = vector.shape_cast %get3A_89 : vector<16xf32> to vector<16xf32>
      %neg3A_91 = arith.constant 0.000000e+00 : f32
      %neg3A_92 = vector.broadcast %neg3A_91 : f32 to vector<16xf32>
      %neg3A_93 = arith.subf %neg3A_92, %get3A_90 : vector<16xf32>
      %exp3A_94 = math.exp %neg3A_93 : vector<16xf32>
      %add3A_95 = arith.constant 1.000000e+00 : f32
      %add3A_96 = vector.broadcast %add3A_95 : f32 to vector<16xf32>
      %add3A_97 = arith.addf %add3A_96, %exp3A_94 : vector<16xf32>
      %div3A_98 = arith.constant 1.000000e+00 : f32
      %div3A_99 = vector.broadcast %div3A_98 : f32 to vector<16xf32>
      %div3A_100 = arith.divf %div3A_99, %add3A_97 : vector<16xf32>
      %get3A_101 = arith.index_cast %mul3A_84 : i32 to index
      %get3A_102 = tpu.vector_load %arg10[%get3A_101] {strides = array<i32>} : memref<512xf32, #tpu.memory_space<vmem>>, vector<16xf32>,
      %get3A_103 = vector.shape_cast %get3A_102 : vector<16xf32> to vector<16xf32>
      %sub3A_104 = arith.subf %div3A_100, %get3A_103 : vector<16xf32>
      %mul3A_105 = arith.mulf %get3A_87, %sub3A_104 : vector<16xf32>
      %neg3A_106 = arith.constant 0.000000e+00 : f32
      %neg3A_107 = vector.broadcast %neg3A_106 : f32 to vector<16xf32>
      %neg3A_108 = arith.subf %neg3A_107, %mul3A_105 : vector<16xf32>
      %exp3A_109 = math.exp %neg3A_108 : vector<16xf32>
      %add3A_110 = arith.constant 1.000000e+00 : f32
      %add3A_111 = vector.broadcast %add3A_110 : f32 to vector<16xf32>
      %add3A_112 = arith.addf %add3A_111, %exp3A_109 : vector<16xf32>
      %div3A_113 = arith.constant 1.000000e+00 : f32
      %div3A_114 = vector.broadcast %div3A_113 : f32 to vector<16xf32>
      %div3A_115 = arith.divf %div3A_114, %add3A_112 : vector<16xf32>
      %swap3A_116 = arith.index_cast %mul3A_84 : i32 to index
      %swap3A_117 = tpu.vector_load %arg11[%swap3A_116] {strides = array<i32>} : memref<512xf32, #tpu.memory_space<vmem>>, vector<16xf32>,
      %swap3A_118 = vector.shape_cast %swap3A_117 : vector<16xf32> to vector<16xf32>
      %swap3A_119 = vector.shape_cast %div3A_115 : vector<16xf32> to vector<16xf32>
      tpu.vector_store %arg11[%swap3A_116], %swap3A_119 {strides = array<i32>} : memref<512xf32, #tpu.memory_space<vmem>>, vector<16xf32>,
      %scan3A_120 = arith.constant 3 : i32
      %scan3A_121 = arith.addi %scan3A_10, %scan3A_120 : i32
      %mul3A_122 = arith.constant 16 : i32
      %mul3A_123 = arith.muli %scan3A_121, %mul3A_122 : i32
      %get3A_124 = arith.index_cast %mul3A_123 : i32 to index
      %get3A_125 = tpu.vector_load %arg9[%get3A_124] {strides = array<i32>} : memref<512xf32, #tpu.memory_space<vmem>>, vector<16xf32>,
      %get3A_126 = vector.shape_cast %get3A_125 : vector<16xf32> to vector<16xf32>
      %get3A_127 = arith.index_cast %mul3A_123 : i32 to index
      %get3A_128 = tpu.vector_load %arg8[%get3A_127] {strides = array<i32>} : memref<512xf32, #tpu.memory_space<vmem>>, vector<16xf32>,
      %get3A_129 = vector.shape_cast %get3A_128 : vector<16xf32> to vector<16xf32>
      %neg3A_130 = arith.constant 0.000000e+00 : f32
      %neg3A_131 = vector.broadcast %neg3A_130 : f32 to vector<16xf32>
      %neg3A_132 = arith.subf %neg3A_131, %get3A_129 : vector<16xf32>
      %exp3A_133 = math.exp %neg3A_132 : vector<16xf32>
      %add3A_134 = arith.constant 1.000000e+00 : f32
      %add3A_135 = vector.broadcast %add3A_134 : f32 to vector<16xf32>
      %add3A_136 = arith.addf %add3A_135, %exp3A_133 : vector<16xf32>
      %div3A_137 = arith.constant 1.000000e+00 : f32
      %div3A_138 = vector.broadcast %div3A_137 : f32 to vector<16xf32>
      %div3A_139 = arith.divf %div3A_138, %add3A_136 : vector<16xf32>
      %get3A_140 = arith.index_cast %mul3A_123 : i32 to index
      %get3A_141 = tpu.vector_load %arg10[%get3A_140] {strides = array<i32>} : memref<512xf32, #tpu.memory_space<vmem>>, vector<16xf32>,
      %get3A_142 = vector.shape_cast %get3A_141 : vector<16xf32> to vector<16xf32>
      %sub3A_143 = arith.subf %div3A_139, %get3A_142 : vector<16xf32>
      %mul3A_144 = arith.mulf %get3A_126, %sub3A_143 : vector<16xf32>
      %neg3A_145 = arith.constant 0.000000e+00 : f32
      %neg3A_146 = vector.broadcast %neg3A_145 : f32 to vector<16xf32>
      %neg3A_147 = arith.subf %neg3A_146, %mul3A_144 : vector<16xf32>
      %exp3A_148 = math.exp %neg3A_147 : vector<16xf32>
      %add3A_149 = arith.constant 1.000000e+00 : f32
      %add3A_150 = vector.broadcast %add3A_149 : f32 to vector<16xf32>
      %add3A_151 = arith.addf %add3A_150, %exp3A_148 : vector<16xf32>
      %div3A_152 = arith.constant 1.000000e+00 : f32
      %div3A_153 = vector.broadcast %div3A_152 : f32 to vector<16xf32>
      %div3A_154 = arith.divf %div3A_153, %add3A_151 : vector<16xf32>
      %swap3A_155 = arith.index_cast %mul3A_123 : i32 to index
      %swap3A_156 = tpu.vector_load %arg11[%swap3A_155] {strides = array<i32>} : memref<512xf32, #tpu.memory_space<vmem>>, vector<16xf32>,
      %swap3A_157 = vector.shape_cast %swap3A_156 : vector<16xf32> to vector<16xf32>
      %swap3A_158 = vector.shape_cast %div3A_154 : vector<16xf32> to vector<16xf32>
      tpu.vector_store %arg11[%swap3A_155], %swap3A_158 {strides = array<i32>} : memref<512xf32, #tpu.memory_space<vmem>>, vector<16xf32>,
    }
    %scan3A_9 = arith.constant 32 : i32
    "tpu.region"() ({
      %run_scoped3A = tpu.sem_alloc : memref<!tpu.dma_semaphore, #tpu.memory_space<semaphore_mem>>
      %dma_start3A_10 = tpu.memref_slice %arg6[%mul3A_2] : memref<16384xf32, #tpu.memory_space<hbm>> -> memref<512xf32, #tpu.memory_space<hbm>>
      %dma_start3A_11 = tpu.memref_slice %arg6[%mul3A_2] : memref<16384xf32, #tpu.memory_space<hbm>> -> memref<512xf32, #tpu.memory_space<hbm>>
      tpu.enqueue_dma source(%arg11 : memref<512xf32, #tpu.memory_space<vmem>>) target(%dma_start3A_11 : memref<512xf32, #tpu.memory_space<hbm>>) target_semaphore(%run_scoped3A : memref<!tpu.dma_semaphore, #tpu.memory_space<semaphore_mem>>)
      %dma_wait3A_12 = tpu.memref_slice %arg6[%mul3A_2] : memref<16384xf32, #tpu.memory_space<hbm>> -> memref<512xf32, #tpu.memory_space<hbm>>
      %dma_wait3A_13 = tpu.memref_slice %arg6[%mul3A_2] : memref<16384xf32, #tpu.memory_space<hbm>> -> memref<512xf32, #tpu.memory_space<hbm>>
      tpu.wait_dma2 semaphore(%run_scoped3A : memref<!tpu.dma_semaphore, #tpu.memory_space<semaphore_mem>>) src(%arg11 : memref<512xf32, #tpu.memory_space<vmem>>) dst(%dma_wait3A_13 : memref<512xf32, #tpu.memory_space<hbm>>)
      tpu.yield
    }) : () -> ()
    return
  }
}

</mosaic_0001>

<sc_bundles>
// kernel: kernel.4.cloned.1.call-start
scs
__scs_entry_jumppad:
0x0: {  	(pc) =	sbr.rel $0x88, $3  }
0x1: {  	(tag) =	ssettag $0x0;
	lr =	simm.s32 $0x1  }
0x2: {  	[smem:$0x3F9C] =	sst lr;
	_ =	strace $0xD0000000  }
0x3: {  	_ = 	snop  }
0x4: {  	_ = 	snop  }
0x5: {  	_ = 	snop  }
0x6: {  	_ = 	snop  }
0x7: {  	_ = 	snop  }
__scs_overlays_trampoline_lowered:
0x8: {  	[smem:$0x3FAB] =	sst s0  }
0x9: {  	[smem:$0x3FAC] =	sst s1  }
0xa: {  	[smem:$0x3FAD] =	sst s2  }
0xb: {  	[smem:$0x3FAE] =	sst s3  }
0xc: {  	[smem:$0x3FAF] =	sst s4  }
0xd: {  	[smem:$0x3FB0] =	sst s5  }
0xe: {  	[smem:$0x3FB1] =	sst s6  }
0xf: {  	[smem:$0x3FB2] =	sst s7  }
0x10: {  	[smem:$0x3FB3] =	sst s8  }
0x11: {  	[smem:$0x3FB4] =	sst s9;
	s0 =	simm.s32 @!p0 $0x0  }
0x12: {  	s1 =	sld [smem:$0x3F9A];
	s0 =	simm.s32 @p0 $0x1  }
0x13: {  	[smem:$0x3FB5] =	sst s0;
	s0 =	simm.s32 @!p1 $0x0  }
0x14: {  	s2 =	sld [smem:$0x3F99];
	s0 =	simm.s32 @p1 $0x1  }
0x15: {  	[smem:$0x3FB6] =	sst s0;
	s0 =	simm.s32 @!p2 $0x0  }
0x16: {  	s3 =	sld [smem:$0x3FDB];
	s0 =	simm.s32 @p2 $0x1  }
0x17: {  	s4 =	simm.s32 $0x1BF5;
	[smem:$0x3FB8] =	sst s0  }
0x18: {  	s0 =	sld [smem:$0x3F9B];
	_ =	swait.ge [sflag:s4], $0x0  }
0x19: {  	s7 =	sld [smem:$0x3F9C]  }
0x1a: {  	s8 =	sadd.s32 $0xFFFFE003, lr  }
0x1b: {  	s9 =	sadd.s32 $0xFFFFFEF7, lr;
	s5 =	simm.s32 $0xFFFFFFFF;
	p2 =	slt.u32 s8, $0xFFFFF086  }
0x1c: {  	p1 =	slt.u32 s9, $0xF7A;
	s5 =	simm.s32 @!p2 $0x0  }
0x1d: {  	s5 =	simm.s32 @p1 $0x1;
	p0 =	seq.s32 s7, s2  }
0x1e: {  	s7 =	smul.u32 @!p0 $0xF7A, s2;
	p2 =	seq.s32 @!p0 s5, $0x0  }
0x1f: {  	s9 =	smul.u32 $0xF7A, s1;
	s8 =	simm.s32 @!p0 $0x1BF5;
	p2 =	por !p2, p0  }
0x20: {  	[sflag:s8] =	ssyncset.s32 @!p0 $0xFFFFF086;
	s6 =	sadd.s32 @!p0 s3, s7;
	s7 =	simm.s32 @!p0 $0x108  }
0x21: {  	s3 =	sadd.s32 s3, s9;
	s6 =	sadd.s32 @!p0 $0x88, s6;
	s7 =	simm.s32 @p2 $0x1082  }
0x22: {  	[simem:s7], [sflag:s8] =	dma.local @!p0 [hbm:s6], $0xF7A  }
0x23: {  	s9 =	sor.u32 $0xD0000000, s2;
	s6 =	simm.s32 $0x108;
	_ =	swait.ge @!p0 [sflag:s8], $0x0  }
0x24: {  	s3 =	sadd.s32 $0x88, s3;
	s6 =	simm.s32 @!p1 $0x1082;
	[sflag:s4] =	ssyncset.s32 $0xFFFFF086  }
0x25: {  	[simem:s6], [sflag:s4] =	dma.local [hbm:s3], $0xF7A  }
0x26: {  	[smem:$0x3F9C] =	sst s1;
	(tag) =	ssettag s2;
	_ =	strace s9  }
0x27: {  	s1 =	sld [smem:$0x3FAC]  }
0x28: {  	s2 =	sld [smem:$0x3FAD]  }
0x29: {  	s4 =	sld [smem:$0x3FAF]  }
0x2a: {  	p0 =	seq.s32 s5, $0x0;
	s5 =	sld [smem:$0x3FB0]  }
0x2b: {  	s6 =	sld [smem:$0x3FB1]  }
0x2c: {  	s7 =	sld [smem:$0x3FB2]  }
0x2d: {  	s3 =	simm.s32 $0x108;
	s8 =	sld [smem:$0x3FB3]  }
0x2e: {  	s3 =	simm.s32 @!p0 $0x1082;
	s9 =	sld [smem:$0x3FB4]  }
0x2f: {  	lr =	sadd.s32 s0, s3;
	s0 =	sld [smem:$0x3FAB]  }
0x30: {  	s3 =	sld [smem:$0x3FAE]  }
0x31: {  	[smem:$0x3FB7] =	sst s10  }
0x32: {  	s10 =	sld [smem:$0x3FB5];
	_ =	sdelay $0x3  }
0x33: {  	p0 =	seq.s32 s10, $0x1;
	s10 =	sld [smem:$0x3FB7];
	_ =	sdelay $0x3  }
0x34: {  	[smem:$0x3FB7] =	sst s10  }
0x35: {  	s10 =	sld [smem:$0x3FB6];
	_ =	sdelay $0x3  }
0x36: {  	p1 =	seq.s32 s10, $0x1;
	s10 =	sld [smem:$0x3FB7];
	_ =	sdelay $0x3  }
0x37: {  	[smem:$0x3FB7] =	sst s10  }
0x38: {  	s10 =	sld [smem:$0x3FB8]  }
0x39: {  	_ = 	snop;
	(pc) =	sbr.ind lr, $3  }
0x3a: {  	_ = 	snop  }
0x3b: {  	_ = 	snop  }
0x3c: {  	p2 =	seq.s32 s10, $0x1;
	s10 =	sld [smem:$0x3FB7]  }
0x3d: {  	_ =	shalt  }
0x3e: {  	_ =	shalt  }
0x3f: {  	_ =	shalt  }
0x40: {  	_ =	shalt  }
0x41: {  	_ =	shalt  }
0x42: {  	_ =	shalt  }
0x43: {  	_ =	shalt  }
0x44: {  	_ =	shalt  }
0x45: {  	_ =	shalt  }
0x46: {  	_ =	shalt  }
0x47: {  	_ =	shalt  }
0x48: {  	_ =	shalt  }
0x49: {  	_ =	shalt  }
0x4a: {  	_ =	shalt  }
0x4b: {  	_ =	shalt  }
0x4c: {  	_ =	shalt  }
0x4d: {  	_ =	shalt  }
0x4e: {  	_ =	shalt  }
0x4f: {  	_ =	shalt  }
0x50: {  	_ =	shalt  }
0x51: {  	_ =	shalt  }
0x52: {  	_ =	shalt  }
0x53: {  	_ =	shalt  }
0x54: {  	_ =	shalt  }
0x55: {  	_ =	shalt  }
0x56: {  	_ =	shalt  }
0x57: {  	_ =	shalt  }
0x58: {  	_ =	shalt  }
0x59: {  	_ =	shalt  }
0x5a: {  	_ =	shalt  }
0x5b: {  	_ =	shalt  }
0x5c: {  	_ =	shalt  }
0x5d: {  	_ =	shalt  }
0x5e: {  	_ =	shalt  }
0x5f: {  	_ =	shalt  }
0x60: {  	_ =	shalt  }
0x61: {  	_ =	shalt  }
0x62: {  	_ =	shalt  }
0x63: {  	_ =	shalt  }
0x64: {  	_ =	shalt  }
0x65: {  	_ =	shalt  }
0x66: {  	_ =	shalt  }
0x67: {  	_ =	shalt  }
0x68: {  	_ =	shalt  }
0x69: {  	_ =	shalt  }
0x6a: {  	_ =	shalt  }
0x6b: {  	_ =	shalt  }
0x6c: {  	_ =	shalt  }
0x6d: {  	_ =	shalt  }
0x6e: {  	_ =	shalt  }
0x6f: {  	_ =	shalt  }
0x70: {  	_ =	shalt  }
0x71: {  	_ =	shalt  }
0x72: {  	_ =	shalt  }
0x73: {  	_ =	shalt  }
0x74: {  	_ =	shalt  }
0x75: {  	_ =	shalt  }
0x76: {  	_ =	shalt  }
0x77: {  	_ =	shalt  }
0x78: {  	_ =	shalt  }
0x79: {  	_ =	shalt  }
0x7a: {  	_ =	shalt  }
0x7b: {  	_ =	shalt  }
0x7c: {  	_ =	shalt  }
0x7d: {  	_ =	shalt  }
0x7e: {  	_ =	shalt  }
0x7f: {  	_ =	shalt  }
0x80: {  	_ =	shalt  }
0x81: {  	_ =	shalt  }
0x82: {  	_ =	shalt  }
0x83: {  	_ =	shalt  }
0x84: {  	_ =	shalt  }
0x85: {  	_ =	shalt  }
0x86: {  	_ =	shalt  }
0x87: {  	_ =	shalt  }
.Lfunc_end0:
.L_simem_size_0:
called_computation_lowered:
.L_overlay_start_0:
0x88: {  	s2 =	sld [smem:$0x3FD9]  }
0x89: {  	s3 =	sld [smem:$0x3FFE];
	_ =	sdelay $0x1  }
0x8a: {  	s1 =	srdreg.scid  }
0x8b: {  	s0 =	sand.u32 $0x1, s1  }
0x8c: {  	s17 =	sshll.u32 s0, $0xA;
	s2 =	sadd.s32 s3, s2  }
0x8d: {  	s2 =	sadd.s32 s2, s17  }
0x8e: {  	[smem:$0x3FC3] =	sst s2  }
0x8f: {  	_ = 	snop  }
0x90: {  	s2 =	sld [smem:$0x3FC8];
	(tm) =	ssettm $0x1  }
0x91: {  	s18 =	sld [smem:$0x3FFB];
	_ =	sdelay $0x3  }
0x92: {  	_ =	strace s18  }
0x93: {  	s3 =	sld [smem:$0x3FFC];
	_ =	sdelay $0x3  }
0x94: {  	_ =	strace s3  }
0x95: {  	s3 =	sld [smem:$0x3FFD];
	_ =	sdelay $0x3  }
0x96: {  	_ =	strace s3  }
0x97: {  	_ =	strace $0x8FFFFFFF  }
0x98: {  	s19 =	sld [smem:$0x3FDB];
	_ =	sdelay $0x1  }
0x99: {  	s4 =	simm.s32 $_scs_section_size  }
0x9a: {  	s5 =	simm.s32 $_size__tile_overlayer_lowered;
	s6 =	simm.s32 $_tile_overlayer_lowered  }
0x9b: {  	s22 =	simm.s32 $0x1BFF;
	s21 =	sshll.u32 s6, $0x1;
	s3 =	sadd.s32 s4, s19  }
0x9c: {  	s7 =	simm.s32 $0x0;
	s20 =	sshll.u32 s5, $0x1;
	s5 =	sadd.s32 s21, s3  }
0x9d: {  	[timem:s7], [sflag:s22] =	dma.local [hbm:s5], s20  }
0x9e: {  	_ =	swait.ge [sflag:s22], s20  }
0x9f: {  	s4 =	ssub.s32 $0x0, s20;
	[sflag:s22] =	ssyncset.done $0x0  }
0xa0: {  	[sflag:s22] =	ssyncadd.s32 s4;
	_ =	sdelay $0x1  }
0xa1: {  	s23 =	simm.s32 $0x1B8B  }
0xa2: {  	_ =	swait.ge [sflag:s23], $0x1  }
0xa3: {  	[sflag:s23] =	ssyncset.done $0x0  }
0xa4: {  	s25 =	simm.s32 $0x1B8E;
	s24 =	sld [smem:$0x3FFE];
	[sflag:s23] =	ssyncadd.s32 $0xFFFFFFFF  }
0xa5: {  	s26 =	simm.s32 $execute0_lowered;
	[smem:$0x3FD2] =	sst s25  }
0xa6: {  	s5 =	sshll.u32 s26, $0x1;
	_ =	strace $0x80000046;
	[dreg:$0x1] =	wrdreg $0xFFFFFFFF  }
0xa7: {  	s28 =	simm.s32 $_size_execute0_lowered;
	s3 =	sadd.s32 s3, s5;
	[dreg:$0x0] =	wrdreg $0x0  }
0xa8: {  	s5 =	sshll.u32 s28, $0x1;
	[dreg:$0x2] =	wrdreg s3  }
0xa9: {  	[dreg:$0x3] =	wrdreg s5  }
0xaa: {  	[dreg:$0x4] =	wrdreg $0xC0  }
0xab: {  	_ =	task [dreg:s7], $0x5FFFF  }
0xac: {  	[dreg:$0x1] =	wrdreg $0xFFFFFFFF  }
0xad: {  	[dreg:$0x0] =	wrdreg $0x60  }
0xae: {  	[dreg:$0x2] =	wrdreg s2  }
0xaf: {  	[dreg:$0x3] =	wrdreg s24  }
0xb0: {  	[dreg:$0x4] =	wrdreg $0x9  }
0xb1: {  	_ =	task.clear_ibuf [dreg:s7], $0x5FFFF;
	_ =	strace $0x90000046  }
0xb2: {  	s29 =	simm.s32 $0x9;
	_ =	strace $0x80000048  }
0xb3: {  	_ =	swait.ge [sflag:s29], $0x1  }
0xb4: {  	[sflag:s29] =	ssyncadd.s32 $0xFFFFFFFF  }
0xb5: {  	_ =	strace $0x90000048  }
0xb6: {  	_ =	sfence  }
0xb7: {  	s30 =	sld [smem:$0x0];
	_ =	sdelay $0x2  }
0xb8: {  	s31 =	sshll.u32 s1, $0xD;
	s1 =	sshrl.u32 s1, $0x2  }
0xb9: {  	s3 =	sand.u32 $0x4000, s31;
	s1 =	sadd.s32 s1, s30  }
0xba: {  	s0 =	sor.u32 s3, s0;
	s1 =	sshll.u32 s1, $0x11  }
0xbb: {  	s0 =	sor.u32 s1, s0  }
0xbc: {  	s0 =	sadd.s32 $0x8F2B, s0  }
0xbd: {  	[sflag:s0] =	ssyncadd.remote.s32 $0x1  }
0xbe: {  	_ =	sfence.sel $0xFFFF  }
0xbf: {  	[dreg:$0x0] =	wrdreg $0xFFFFFFFF;
	(pc) =	sbr.abs _section_cstart, $3  }
0xc0: {  	[dreg:$0x1] =	wrdreg $0xFFFFFFFF  }
0xc1: {  	_ =	task.clear_ibuf [dreg:s7], $0x2FFFF;
	_ =	strace $0x9FFFFFFF  }
0xc2: {  	(tm) =	ssettm $0x7FFFFFFF  }
0xc3: {  	_ =	shalt  }
tec
execute0_lowered:
.L_overlay_start_1:
0x0: {  	(tag) =	ssettag $0x1  }
0x1: {  	s5 =	rddreg [dreg:$0x0]  }
0x2: {  	s1 =	rddreg [dreg:$0x1]  }
0x3: {  	s0 =	rddreg [dreg:$0x2];
	s3 =	simm.s32 $0x0;
	s4 =	srdreg.scid  }
0x4: {  	s2 =	stileid.u32;
	s10 =	simm.s32 $0x200;
	s11 =	simm.s32 $0x400  }
0x5: {  	s12 =	simm.s32 $0x1;
	s13 =	simm.s32 $0x2;
	s14 =	simm.s32 $0x600  }
0x6: {  	s15 =	simm.s32 $0x800;
	s16 =	simm.s32 $0x0;
	s4 =	sand.u32 $0x1, s4  }
0x7: {  	[smem:$0x7FF] =	sst s3;
	s6 =	sshll.u32 s2, $0x7;
	s7 =	sshll.u32 s4, $0x6  }
0x8: {  	s8 =	ssub.s32 $0x2, s4;
	_ =	strace $0x80000047;
	s6 =	sor.u32 s7, s6  }
0x9: {  	s4 =	sadd.s32 $0x3200, s1;
	s31 =	sshrl.u32 s8, $0x1;
	s9 =	sadd.s32 s6, s1  }
0xa: {  	s8 =	ssub.s32 s8, s31;
	s5 =	sadd.s32 s5, s6;
	s6 =	sadd.s32 $0x6400, s9  }
0xb: {  	s7 =	sadd.s32 $0x6C00, s9;
	s8 =	smax.u32 s8, $0x1;
	s9 =	simm.s32 $0x3  }
.LBB2_1:
0xc: {  	[tilespmem:s3], [sflag:$0x3] =	stream.linear.gather [hbm4b:s5+s3], $0x200, $0x38;
	[tilespmem:$0xA00] =	vst v63  }
0xd: {  	_ =	swait.ge [sflag:s9], $0x200  }
0xe: {  	[sflag:s9] =	ssyncset.done $0x0  }
0xf: {  	[sflag:s9] =	ssyncadd.s32 $0xFFFFFE00  }
0x10: {  	[tilespmem:s10], [sflag:$0x1] =	stream.indirect.gather [hbm4b:s1+s10], $0x1, s3, s10, $0xb8;
	[tilespmem:$0xA00] =	vst v63  }
0x11: {  	_ = 	snop  }
0x12: {  	[tilespmem:s11], [sflag:$0x2] =	stream.indirect.gather [hbm4b:s4+s10], $0x1, s3, s10, $0xb8;
	[tilespmem:$0xA00] =	vst v63  }
0x13: {  	_ =	swait.ge [sflag:s12], $0x200  }
0x14: {  	[sflag:s12] =	ssyncset.done $0x0  }
0x15: {  	[sflag:s12] =	ssyncadd.s32 $0xFFFFFE00  }
0x16: {  	_ =	swait.ge [sflag:s13], $0x200  }
0x17: {  	[sflag:s13] =	ssyncset.done $0x0  }
0x18: {  	s19 =	simm.s32 $0x420;
	[sflag:s13] =	ssyncadd.s32 $0xFFFFFE00  }
0x19: {  	v0 =	vld [tilespmem:s19+$0xFFFFFFE0];
	_ =	sdelay $0x4  }
0x1a: {  	v0 =	vsub.f32 $0.0e+00, v0;
	_ =	sdelay $0x1  }
0x1b: {  	v0 =	vmul.f32 $1.442695020e+00, v0;
	_ =	sdelay $0x1  }
0x1c: {  	(erf) = vpow2.f32 v0;
	_ =	sdelay $0x8  }
0x1d: {  	v0 =	vpop (erf)  }
0x1e: {  	v0 =	vadd.f32 $1.000000000e+00, v0;
	_ =	sdelay $0x1  }
0x1f: {  	(erf) = vrcp.f32 v0;
	_ =	sdelay $0x8  }
0x20: {  	v0 =	vpop (erf)  }
0x21: {  	v0 =	vmul.f32 $1.000000000e+01, v0  }
0x22: {  	s20 =	simm.s32 $0x620  }
0x23: {  	s17 =	simm.s32 $0x220;
	[tilespmem:s20+$0xFFFFFFE0] =	vst v0  }
0x24: {  	v0 =	vld [tilespmem:s17+$0xFFFFFFE0];
	_ =	sdelay $0x4  }
0x25: {  	v0 =	vsub.f32 $0.0e+00, v0;
	_ =	sdelay $0x1  }
0x26: {  	v0 =	vmul.f32 $1.442695020e+00, v0;
	_ =	sdelay $0x1  }
0x27: {  	(erf) = vpow2.f32 v0;
	_ =	sdelay $0x8  }
0x28: {  	v0 =	vpop (erf)  }
0x29: {  	v0 =	vadd.f32 $1.000000000e+00, v0;
	_ =	sdelay $0x1  }
0x2a: {  	(erf) = vrcp.f32 v0;
	_ =	sdelay $0x8  }
0x2b: {  	s18 =	simm.s32 $0x820;
	v0 =	vpop (erf)  }
0x2c: {  	[tilespmem:s18+$0xFFFFFFE0] =	vst v0  }
0x2d: {  	v0 =	vld [tilespmem:s19+$0xFFFFFFF0];
	_ =	sdelay $0x4  }
0x2e: {  	v0 =	vsub.f32 $0.0e+00, v0;
	_ =	sdelay $0x1  }
0x2f: {  	v0 =	vmul.f32 $1.442695020e+00, v0;
	_ =	sdelay $0x1  }
0x30: {  	(erf) = vpow2.f32 v0;
	_ =	sdelay $0x8  }
0x31: {  	v0 =	vpop (erf)  }
0x32: {  	v0 =	vadd.f32 $1.000000000e+00, v0;
	_ =	sdelay $0x1  }
0x33: {  	(erf) = vrcp.f32 v0;
	_ =	sdelay $0x8  }
0x34: {  	v0 =	vpop (erf)  }
0x35: {  	v0 =	vmul.f32 $1.000000000e+01, v0;
	_ =	sdelay $0x1  }
0x36: {  	[tilespmem:s20+$0xFFFFFFF0] =	vst v0  }
0x37: {  	v0 =	vld [tilespmem:s17+$0xFFFFFFF0];
	_ =	sdelay $0x4  }
0x38: {  	v0 =	vsub.f32 $0.0e+00, v0;
	_ =	sdelay $0x1  }
0x39: {  	v0 =	vmul.f32 $1.442695020e+00, v0;
	_ =	sdelay $0x1  }
0x3a: {  	(erf) = vpow2.f32 v0;
	_ =	sdelay $0x8  }
0x3b: {  	v0 =	vpop (erf)  }
0x3c: {  	v0 =	vadd.f32 $1.000000000e+00, v0;
	_ =	sdelay $0x1  }
0x3d: {  	(erf) = vrcp.f32 v0;
	_ =	sdelay $0x8  }
0x3e: {  	v0 =	vpop (erf)  }
0x3f: {  	[tilespmem:s18+$0xFFFFFFF0] =	vst v0  }
0x40: {  	v0 =	vld [tilespmem:s19+$0x0];
	_ =	sdelay $0x4  }
0x41: {  	v0 =	vsub.f32 $0.0e+00, v0;
	_ =	sdelay $0x1  }
0x42: {  	v0 =	vmul.f32 $1.442695020e+00, v0;
	_ =	sdelay $0x1  }
0x43: {  	(erf) = vpow2.f32 v0;
	_ =	sdelay $0x8  }
0x44: {  	v0 =	vpop (erf)  }
0x45: {  	v0 =	vadd.f32 $1.000000000e+00, v0;
	_ =	sdelay $0x1  }
0x46: {  	(erf) = vrcp.f32 v0;
	_ =	sdelay $0x8  }
0x47: {  	v0 =	vpop (erf)  }
0x48: {  	v0 =	vmul.f32 $1.000000000e+01, v0;
	_ =	sdelay $0x1  }
0x49: {  	[tilespmem:s20+$0x0] =	vst v0  }
0x4a: {  	v0 =	vld [tilespmem:s17+$0x0];
	_ =	sdelay $0x4  }
0x4b: {  	v0 =	vsub.f32 $0.0e+00, v0;
	_ =	sdelay $0x1  }
0x4c: {  	v0 =	vmul.f32 $1.442695020e+00, v0;
	_ =	sdelay $0x1  }
0x4d: {  	(erf) = vpow2.f32 v0;
	_ =	sdelay $0x8  }
0x4e: {  	v0 =	vpop (erf)  }
0x4f: {  	v0 =	vadd.f32 $1.000000000e+00, v0;
	_ =	sdelay $0x1  }
0x50: {  	(erf) = vrcp.f32 v0;
	_ =	sdelay $0x8  }
0x51: {  	v0 =	vpop (erf)  }
0x52: {  	[tilespmem:s18+$0x0] =	vst v0  }
0x53: {  	v0 =	vld [tilespmem:s19+$0x10];
	_ =	sdelay $0x4  }
0x54: {  	v0 =	vsub.f32 $0.0e+00, v0;
	_ =	sdelay $0x1  }
0x55: {  	v0 =	vmul.f32 $1.442695020e+00, v0;
	_ =	sdelay $0x1  }
0x56: {  	(erf) = vpow2.f32 v0;
	_ =	sdelay $0x8  }
0x57: {  	v0 =	vpop (erf)  }
0x58: {  	v0 =	vadd.f32 $1.000000000e+00, v0;
	_ =	sdelay $0x1  }
0x59: {  	(erf) = vrcp.f32 v0;
	_ =	sdelay $0x8  }
0x5a: {  	v0 =	vpop (erf)  }
0x5b: {  	v0 =	vmul.f32 $1.000000000e+01, v0;
	_ =	sdelay $0x1  }
0x5c: {  	[tilespmem:s20+$0x10] =	vst v0  }
0x5d: {  	v0 =	vld [tilespmem:s17+$0x10];
	_ =	sdelay $0x4  }
0x5e: {  	v0 =	vsub.f32 $0.0e+00, v0;
	_ =	sdelay $0x1  }
0x5f: {  	v0 =	vmul.f32 $1.442695020e+00, v0;
	_ =	sdelay $0x1  }
0x60: {  	(erf) = vpow2.f32 v0;
	_ =	sdelay $0x8  }
0x61: {  	v0 =	vpop (erf)  }
0x62: {  	v0 =	vadd.f32 $1.000000000e+00, v0;
	_ =	sdelay $0x1  }
0x63: {  	(erf) = vrcp.f32 v0;
	_ =	sdelay $0x8  }
0x64: {  	s21 =	simm.s32 $0x460;
	s19 =	simm.s32 $0x0;
	s20 =	simm.s32 $0x660;
	v0 =	vpop (erf)  }
.LBB2_2:
0x65: {  	s19 =	sadd.s32 $0x4, s19;
	[tilespmem:s18+$0x10] =	vst v0;
	s18 =	sadd.s32 $0x40, s18;
	s17 =	sadd.s32 $0x40, s17  }
0x66: {  	v0 =	vld [tilespmem:s21+$0xFFFFFFE0];
	p0 =	slt.u32 s19, $0x1C;
	_ =	sdelay $0x4  }
0x67: {  	v0 =	vsub.f32 $0.0e+00, v0;
	_ =	sdelay $0x1  }
0x68: {  	v0 =	vmul.f32 $1.442695020e+00, v0;
	_ =	sdelay $0x1  }
0x69: {  	(erf) = vpow2.f32 v0;
	_ =	sdelay $0x8  }
0x6a: {  	v0 =	vpop (erf)  }
0x6b: {  	v0 =	vadd.f32 $1.000000000e+00, v0;
	_ =	sdelay $0x1  }
0x6c: {  	(erf) = vrcp.f32 v0;
	_ =	sdelay $0x8  }
0x6d: {  	v0 =	vpop (erf)  }
0x6e: {  	v0 =	vmul.f32 $1.000000000e+01, v0;
	_ =	sdelay $0x1  }
0x6f: {  	[tilespmem:s20+$0xFFFFFFE0] =	vst v0  }
0x70: {  	v0 =	vld [tilespmem:s17+$0xFFFFFFE0];
	_ =	sdelay $0x4  }
0x71: {  	v0 =	vsub.f32 $0.0e+00, v0;
	_ =	sdelay $0x1  }
0x72: {  	v0 =	vmul.f32 $1.442695020e+00, v0;
	_ =	sdelay $0x1  }
0x73: {  	(erf) = vpow2.f32 v0;
	_ =	sdelay $0x8  }
0x74: {  	v0 =	vpop (erf)  }
0x75: {  	v0 =	vadd.f32 $1.000000000e+00, v0;
	_ =	sdelay $0x1  }
0x76: {  	(erf) = vrcp.f32 v0;
	_ =	sdelay $0x8  }
0x77: {  	v0 =	vpop (erf)  }
0x78: {  	[tilespmem:s18+$0xFFFFFFE0] =	vst v0  }
0x79: {  	v0 =	vld [tilespmem:s21+$0xFFFFFFF0];
	_ =	sdelay $0x4  }
0x7a: {  	v0 =	vsub.f32 $0.0e+00, v0;
	_ =	sdelay $0x1  }
0x7b: {  	v0 =	vmul.f32 $1.442695020e+00, v0;
	_ =	sdelay $0x1  }
0x7c: {  	(erf) = vpow2.f32 v0;
	_ =	sdelay $0x8  }
0x7d: {  	v0 =	vpop (erf)  }
0x7e: {  	v0 =	vadd.f32 $1.000000000e+00, v0;
	_ =	sdelay $0x1  }
0x7f: {  	(erf) = vrcp.f32 v0;
	_ =	sdelay $0x8  }
0x80: {  	v0 =	vpop (erf)  }
0x81: {  	v0 =	vmul.f32 $1.000000000e+01, v0;
	_ =	sdelay $0x1  }
0x82: {  	[tilespmem:s20+$0xFFFFFFF0] =	vst v0  }
0x83: {  	v0 =	vld [tilespmem:s17+$0xFFFFFFF0];
	_ =	sdelay $0x4  }
0x84: {  	v0 =	vsub.f32 $0.0e+00, v0;
	_ =	sdelay $0x1  }
0x85: {  	v0 =	vmul.f32 $1.442695020e+00, v0;
	_ =	sdelay $0x1  }
0x86: {  	(erf) = vpow2.f32 v0;
	_ =	sdelay $0x8  }
0x87: {  	v0 =	vpop (erf)  }
0x88: {  	v0 =	vadd.f32 $1.000000000e+00, v0;
	_ =	sdelay $0x1  }
0x89: {  	(erf) = vrcp.f32 v0;
	_ =	sdelay $0x8  }
0x8a: {  	v0 =	vpop (erf)  }
0x8b: {  	[tilespmem:s18+$0xFFFFFFF0] =	vst v0  }
0x8c: {  	v0 =	vld [tilespmem:s21+$0x0];
	_ =	sdelay $0x4  }
0x8d: {  	v0 =	vsub.f32 $0.0e+00, v0;
	_ =	sdelay $0x1  }
0x8e: {  	v0 =	vmul.f32 $1.442695020e+00, v0;
	_ =	sdelay $0x1  }
0x8f: {  	(erf) = vpow2.f32 v0;
	_ =	sdelay $0x8  }
0x90: {  	v0 =	vpop (erf)  }
0x91: {  	v0 =	vadd.f32 $1.000000000e+00, v0;
	_ =	sdelay $0x1  }
0x92: {  	(erf) = vrcp.f32 v0;
	_ =	sdelay $0x8  }
0x93: {  	v0 =	vpop (erf)  }
0x94: {  	v0 =	vmul.f32 $1.000000000e+01, v0;
	_ =	sdelay $0x1  }
0x95: {  	[tilespmem:s20+$0x0] =	vst v0  }
0x96: {  	v0 =	vld [tilespmem:s17+$0x0];
	_ =	sdelay $0x4  }
0x97: {  	v0 =	vsub.f32 $0.0e+00, v0;
	_ =	sdelay $0x1  }
0x98: {  	v0 =	vmul.f32 $1.442695020e+00, v0;
	_ =	sdelay $0x1  }
0x99: {  	(erf) = vpow2.f32 v0;
	_ =	sdelay $0x8  }
0x9a: {  	v0 =	vpop (erf)  }
0x9b: {  	v0 =	vadd.f32 $1.000000000e+00, v0;
	_ =	sdelay $0x1  }
0x9c: {  	(erf) = vrcp.f32 v0;
	_ =	sdelay $0x8  }
0x9d: {  	v0 =	vpop (erf)  }
0x9e: {  	[tilespmem:s18+$0x0] =	vst v0  }
0x9f: {  	v0 =	vld [tilespmem:s21+$0x10];
	_ =	sdelay $0x4  }
0xa0: {  	v0 =	vsub.f32 $0.0e+00, v0;
	_ =	sdelay $0x1  }
0xa1: {  	v0 =	vmul.f32 $1.442695020e+00, v0;
	_ =	sdelay $0x1  }
0xa2: {  	(erf) = vpow2.f32 v0;
	_ =	sdelay $0x8  }
0xa3: {  	v0 =	vpop (erf)  }
0xa4: {  	v0 =	vadd.f32 $1.000000000e+00, v0;
	_ =	sdelay $0x1  }
0xa5: {  	(erf) = vrcp.f32 v0;
	_ =	sdelay $0x8  }
0xa6: {  	v0 =	vpop (erf)  }
0xa7: {  	v0 =	vmul.f32 $1.000000000e+01, v0;
	_ =	sdelay $0x1  }
0xa8: {  	[tilespmem:s20+$0x10] =	vst v0  }
0xa9: {  	v0 =	vld [tilespmem:s17+$0x10];
	_ =	sdelay $0x4  }
0xaa: {  	v0 =	vsub.f32 $0.0e+00, v0;
	_ =	sdelay $0x1  }
0xab: {  	v0 =	vmul.f32 $1.442695020e+00, v0;
	_ =	sdelay $0x1  }
0xac: {  	(erf) = vpow2.f32 v0;
	_ =	sdelay $0x8  }
0xad: {  	v0 =	vpop (erf)  }
0xae: {  	v0 =	vadd.f32 $1.000000000e+00, v0;
	_ =	sdelay $0x1  }
0xaf: {  	(erf) = vrcp.f32 v0;
	_ =	sdelay $0x4  }
.Ltmp0:
0xb0: {  	(pc) =	sbr.rel @p0 .LBB2_2-.Ltmp0, $2  }
0xb1: {  	_ =	sdelay $0x2  }
0xb2: {  	s21 =	sadd.s32 $0x40, s21;
	s20 =	sadd.s32 $0x40, s20;
	v0 =	vpop (erf)  }
0xb3: {  	[tilespmem:s18+$0x10] =	vst v0  }
0xb4: {  	[hbm4b:s6+s3] =	stream.linear.scatter [tilespmem:s14], [sflag:$0x3], $0x200, $0x38;
	[tilespmem:$0xA00] =	vst v63  }
0xb5: {  	s16 =	sadd.s32 $0x1, s16;
	_ =	swait.ge [sflag:s9], $0x200  }
0xb6: {  	p0 =	sne.s32 s16, s8;
	[sflag:s9] =	ssyncset.done $0x0  }
.Ltmp1:
0xb7: {  	[sflag:s9] =	ssyncadd.s32 $0xFFFFFE00;
	(pc) =	sbr.rel @p0 .LBB2_1-.Ltmp1, $4  }
0xb8: {  	[hbm4b:s7+s3] =	stream.linear.scatter [tilespmem:s15], [sflag:$0x3], $0x200, $0x38;
	[tilespmem:$0xA00] =	vst v63  }
0xb9: {  	_ =	swait.ge [sflag:s9], $0x200  }
0xba: {  	[sflag:s9] =	ssyncset.done $0x0  }
0xbb: {  	[sflag:s9] =	ssyncadd.s32 $0xFFFFFE00  }
0xbc: {  	_ =	sfence.sel $0x180000  }
0xbd: {  	[bflag:$0x0] =	sbarrier.arrive $0xFFFF  }
0xbe: {  	p0 =	sne.s32 s2, $0x0;
	_ =	strace $0x90000047  }
0xbf: {  	s0 =	sadd.s32 @!p0 $0x100000, s0;
	[bflag:$0x2] =	sbarrier.arrive $0xFFFF  }
0xc0: {  	[sflag:s0] =	ssyncadd.tile.s32 @!p0 $0x1;
	_ =	shalt  }
.Lfunc_end2:
_tile_overlayer_lowered:
.L_overlay_start_2:
0xc1: {  	(tag) =	ssettag $0x2  }
0xc2: {  	s0 =	rddreg [dreg:$0x0];
	s2 =	stileid.u32  }
0xc3: {  	s1 =	rddreg [dreg:$0x1];
	p0 =	sne.s32 s2, $0x0  }
0xc4: {  	s3 =	rddreg [dreg:$0x2];
	[bflag:$0x3] =	sbarrier.arrive $0xFFFF;
	s2 =	simm.s32 @!p0 $0x1C03  }
0xc5: {  	[timem:s3], [sflag:s2] =	dma.local @!p0 [hbm:s0], s1  }
0xc6: {  	s0 =	simm.s32 @!p0 $0x3  }
0xc7: {  	_ =	swait.ge @!p0 [sflag:s0], s1  }
0xc8: {  	s1 =	ssub.s32 @!p0 $0x0, s1;
	[sflag:s0] =	ssyncset.done @!p0 $0x0  }
0xc9: {  	[sflag:s0] =	ssyncadd.s32 @!p0 s1  }
0xca: {  	[bflag:$0x3] =	sbarrier.arrive $0xFFFF  }
0xcb: {  	_ =	shalt  }

// kernel: kernel.7.cloned.1.call-start
scs
__scs_entry_jumppad:
0x0: {  	(pc) =	sbr.rel $0x88, $3  }
0x1: {  	(tag) =	ssettag $0x0;
	lr =	simm.s32 $0x1  }
0x2: {  	[smem:$0x3F9C] =	sst lr;
	_ =	strace $0xD0000000  }
0x3: {  	_ = 	snop  }
0x4: {  	_ = 	snop  }
0x5: {  	_ = 	snop  }
0x6: {  	_ = 	snop  }
0x7: {  	_ = 	snop  }
__scs_overlays_trampoline_lowered:
0x8: {  	[smem:$0x3FAB] =	sst s0  }
0x9: {  	[smem:$0x3FAC] =	sst s1  }
0xa: {  	[smem:$0x3FAD] =	sst s2  }
0xb: {  	[smem:$0x3FAE] =	sst s3  }
0xc: {  	[smem:$0x3FAF] =	sst s4  }
0xd: {  	[smem:$0x3FB0] =	sst s5  }
0xe: {  	[smem:$0x3FB1] =	sst s6  }
0xf: {  	[smem:$0x3FB2] =	sst s7  }
0x10: {  	[smem:$0x3FB3] =	sst s8  }
0x11: {  	[smem:$0x3FB4] =	sst s9;
	s0 =	simm.s32 @!p0 $0x0  }
0x12: {  	s1 =	sld [smem:$0x3F9A];
	s0 =	simm.s32 @p0 $0x1  }
0x13: {  	[smem:$0x3FB5] =	sst s0;
	s0 =	simm.s32 @!p1 $0x0  }
0x14: {  	s2 =	sld [smem:$0x3F99];
	s0 =	simm.s32 @p1 $0x1  }
0x15: {  	[smem:$0x3FB6] =	sst s0;
	s0 =	simm.s32 @!p2 $0x0  }
0x16: {  	s3 =	sld [smem:$0x3FDB];
	s0 =	simm.s32 @p2 $0x1  }
0x17: {  	s4 =	simm.s32 $0x1BF5;
	[smem:$0x3FB8] =	sst s0  }
0x18: {  	s0 =	sld [smem:$0x3F9B];
	_ =	swait.ge [sflag:s4], $0x0  }
0x19: {  	s7 =	sld [smem:$0x3F9C]  }
0x1a: {  	s8 =	sadd.s32 $0xFFFFE003, lr  }
0x1b: {  	s9 =	sadd.s32 $0xFFFFFEF7, lr;
	s5 =	simm.s32 $0xFFFFFFFF;
	p2 =	slt.u32 s8, $0xFFFFF086  }
0x1c: {  	p1 =	slt.u32 s9, $0xF7A;
	s5 =	simm.s32 @!p2 $0x0  }
0x1d: {  	s5 =	simm.s32 @p1 $0x1;
	p0 =	seq.s32 s7, s2  }
0x1e: {  	s7 =	smul.u32 @!p0 $0xF7A, s2;
	p2 =	seq.s32 @!p0 s5, $0x0  }
0x1f: {  	s9 =	smul.u32 $0xF7A, s1;
	s8 =	simm.s32 @!p0 $0x1BF5;
	p2 =	por !p2, p0  }
0x20: {  	[sflag:s8] =	ssyncset.s32 @!p0 $0xFFFFF086;
	s6 =	sadd.s32 @!p0 s3, s7;
	s7 =	simm.s32 @!p0 $0x108  }
0x21: {  	s3 =	sadd.s32 s3, s9;
	s6 =	sadd.s32 @!p0 $0x88, s6;
	s7 =	simm.s32 @p2 $0x1082  }
0x22: {  	[simem:s7], [sflag:s8] =	dma.local @!p0 [hbm:s6], $0xF7A  }
0x23: {  	s9 =	sor.u32 $0xD0000000, s2;
	s6 =	simm.s32 $0x108;
	_ =	swait.ge @!p0 [sflag:s8], $0x0  }
0x24: {  	s3 =	sadd.s32 $0x88, s3;
	s6 =	simm.s32 @!p1 $0x1082;
	[sflag:s4] =	ssyncset.s32 $0xFFFFF086  }
0x25: {  	[simem:s6], [sflag:s4] =	dma.local [hbm:s3], $0xF7A  }
0x26: {  	[smem:$0x3F9C] =	sst s1;
	(tag) =	ssettag s2;
	_ =	strace s9  }
0x27: {  	s1 =	sld [smem:$0x3FAC]  }
0x28: {  	s2 =	sld [smem:$0x3FAD]  }
0x29: {  	s4 =	sld [smem:$0x3FAF]  }
0x2a: {  	p0 =	seq.s32 s5, $0x0;
	s5 =	sld [smem:$0x3FB0]  }
0x2b: {  	s6 =	sld [smem:$0x3FB1]  }
0x2c: {  	s7 =	sld [smem:$0x3FB2]  }
0x2d: {  	s3 =	simm.s32 $0x108;
	s8 =	sld [smem:$0x3FB3]  }
0x2e: {  	s3 =	simm.s32 @!p0 $0x1082;
	s9 =	sld [smem:$0x3FB4]  }
0x2f: {  	lr =	sadd.s32 s0, s3;
	s0 =	sld [smem:$0x3FAB]  }
0x30: {  	s3 =	sld [smem:$0x3FAE]  }
0x31: {  	[smem:$0x3FB7] =	sst s10  }
0x32: {  	s10 =	sld [smem:$0x3FB5];
	_ =	sdelay $0x3  }
0x33: {  	p0 =	seq.s32 s10, $0x1;
	s10 =	sld [smem:$0x3FB7];
	_ =	sdelay $0x3  }
0x34: {  	[smem:$0x3FB7] =	sst s10  }
0x35: {  	s10 =	sld [smem:$0x3FB6];
	_ =	sdelay $0x3  }
0x36: {  	p1 =	seq.s32 s10, $0x1;
	s10 =	sld [smem:$0x3FB7];
	_ =	sdelay $0x3  }
0x37: {  	[smem:$0x3FB7] =	sst s10  }
0x38: {  	s10 =	sld [smem:$0x3FB8]  }
0x39: {  	_ = 	snop;
	(pc) =	sbr.ind lr, $3  }
0x3a: {  	_ = 	snop  }
0x3b: {  	_ = 	snop  }
0x3c: {  	p2 =	seq.s32 s10, $0x1;
	s10 =	sld [smem:$0x3FB7]  }
0x3d: {  	_ =	shalt  }
0x3e: {  	_ =	shalt  }
0x3f: {  	_ =	shalt  }
0x40: {  	_ =	shalt  }
0x41: {  	_ =	shalt  }
0x42: {  	_ =	shalt  }
0x43: {  	_ =	shalt  }
0x44: {  	_ =	shalt  }
0x45: {  	_ =	shalt  }
0x46: {  	_ =	shalt  }
0x47: {  	_ =	shalt  }
0x48: {  	_ =	shalt  }
0x49: {  	_ =	shalt  }
0x4a: {  	_ =	shalt  }
0x4b: {  	_ =	shalt  }
0x4c: {  	_ =	shalt  }
0x4d: {  	_ =	shalt  }
0x4e: {  	_ =	shalt  }
0x4f: {  	_ =	shalt  }
0x50: {  	_ =	shalt  }
0x51: {  	_ =	shalt  }
0x52: {  	_ =	shalt  }
0x53: {  	_ =	shalt  }
0x54: {  	_ =	shalt  }
0x55: {  	_ =	shalt  }
0x56: {  	_ =	shalt  }
0x57: {  	_ =	shalt  }
0x58: {  	_ =	shalt  }
0x59: {  	_ =	shalt  }
0x5a: {  	_ =	shalt  }
0x5b: {  	_ =	shalt  }
0x5c: {  	_ =	shalt  }
0x5d: {  	_ =	shalt  }
0x5e: {  	_ =	shalt  }
0x5f: {  	_ =	shalt  }
0x60: {  	_ =	shalt  }
0x61: {  	_ =	shalt  }
0x62: {  	_ =	shalt  }
0x63: {  	_ =	shalt  }
0x64: {  	_ =	shalt  }
0x65: {  	_ =	shalt  }
0x66: {  	_ =	shalt  }
0x67: {  	_ =	shalt  }
0x68: {  	_ =	shalt  }
0x69: {  	_ =	shalt  }
0x6a: {  	_ =	shalt  }
0x6b: {  	_ =	shalt  }
0x6c: {  	_ =	shalt  }
0x6d: {  	_ =	shalt  }
0x6e: {  	_ =	shalt  }
0x6f: {  	_ =	shalt  }
0x70: {  	_ =	shalt  }
0x71: {  	_ =	shalt  }
0x72: {  	_ =	shalt  }
0x73: {  	_ =	shalt  }
0x74: {  	_ =	shalt  }
0x75: {  	_ =	shalt  }
0x76: {  	_ =	shalt  }
0x77: {  	_ =	shalt  }
0x78: {  	_ =	shalt  }
0x79: {  	_ =	shalt  }
0x7a: {  	_ =	shalt  }
0x7b: {  	_ =	shalt  }
0x7c: {  	_ =	shalt  }
0x7d: {  	_ =	shalt  }
0x7e: {  	_ =	shalt  }
0x7f: {  	_ =	shalt  }
0x80: {  	_ =	shalt  }
0x81: {  	_ =	shalt  }
0x82: {  	_ =	shalt  }
0x83: {  	_ =	shalt  }
0x84: {  	_ =	shalt  }
0x85: {  	_ =	shalt  }
0x86: {  	_ =	shalt  }
0x87: {  	_ =	shalt  }
.Lfunc_end0:
.L_simem_size_0:
called_computation.1_lowered:
.L_overlay_start_0:
0x88: {  	s2 =	sld [smem:$0x3FD9]  }
0x89: {  	s3 =	sld [smem:$0x3FFE];
	_ =	sdelay $0x1  }
0x8a: {  	s1 =	srdreg.scid  }
0x8b: {  	s0 =	sand.u32 $0x1, s1  }
0x8c: {  	s17 =	sshll.u32 s0, $0xA;
	s2 =	sadd.s32 s3, s2  }
0x8d: {  	s2 =	sadd.s32 s2, s17  }
0x8e: {  	[smem:$0x3FC3] =	sst s2  }
0x8f: {  	_ = 	snop  }
0x90: {  	s2 =	sld [smem:$0x3FC9]  }
0x91: {  	s18 =	sld [smem:$0x3FD0];
	(tm) =	ssettm $0x1  }
0x92: {  	s4 =	sld [smem:$0x3FFB];
	_ =	sdelay $0x3  }
0x93: {  	_ =	strace s4  }
0x94: {  	s4 =	sld [smem:$0x3FFC];
	_ =	sdelay $0x3  }
0x95: {  	_ =	strace s4  }
0x96: {  	s4 =	sld [smem:$0x3FFD];
	_ =	sdelay $0x3  }
0x97: {  	_ =	strace s4  }
0x98: {  	_ =	strace $0x8FFFFFFF  }
0x99: {  	s19 =	sld [smem:$0x3FDB];
	_ =	sdelay $0x1  }
0x9a: {  	s5 =	simm.s32 $_scs_section_size  }
0x9b: {  	s6 =	simm.s32 $_size__tile_overlayer_lowered;
	s7 =	simm.s32 $_tile_overlayer_lowered  }
0x9c: {  	s22 =	simm.s32 $0x1BFF;
	s21 =	sshll.u32 s7, $0x1;
	s4 =	sadd.s32 s5, s19  }
0x9d: {  	s8 =	simm.s32 $0x0;
	s20 =	sshll.u32 s6, $0x1;
	s6 =	sadd.s32 s21, s4  }
0x9e: {  	[timem:s8], [sflag:s22] =	dma.local [hbm:s6], s20  }
0x9f: {  	_ =	swait.ge [sflag:s22], s20  }
0xa0: {  	s5 =	ssub.s32 $0x0, s20;
	[sflag:s22] =	ssyncset.done $0x0  }
0xa1: {  	[sflag:s22] =	ssyncadd.s32 s5;
	_ =	sdelay $0x1  }
0xa2: {  	s23 =	simm.s32 $0x1B8B  }
0xa3: {  	_ =	swait.ge [sflag:s23], $0x1  }
0xa4: {  	[sflag:s23] =	ssyncset.done $0x0  }
0xa5: {  	s25 =	simm.s32 $0x1B8E;
	s24 =	sld [smem:$0x3FFE];
	[sflag:s23] =	ssyncadd.s32 $0xFFFFFFFF  }
0xa6: {  	s26 =	simm.s32 $execute0_lowered;
	[smem:$0x3FD2] =	sst s25  }
0xa7: {  	s6 =	sshll.u32 s26, $0x1;
	_ =	strace $0x80000049;
	[dreg:$0x1] =	wrdreg $0xFFFFFFFF  }
0xa8: {  	s28 =	simm.s32 $_size_execute0_lowered;
	s4 =	sadd.s32 s4, s6;
	[dreg:$0x0] =	wrdreg $0x0  }
0xa9: {  	s6 =	sshll.u32 s28, $0x1;
	[dreg:$0x2] =	wrdreg s4  }
0xaa: {  	[dreg:$0x3] =	wrdreg s6  }
0xab: {  	[dreg:$0x4] =	wrdreg $0xC0  }
0xac: {  	_ =	task [dreg:s8], $0x5FFFF  }
0xad: {  	[dreg:$0x1] =	wrdreg $0xFFFFFFFF  }
0xae: {  	[dreg:$0x0] =	wrdreg $0x60  }
0xaf: {  	[dreg:$0x2] =	wrdreg s2  }
0xb0: {  	[dreg:$0x3] =	wrdreg s24  }
0xb1: {  	[dreg:$0x4] =	wrdreg s18  }
0xb2: {  	[dreg:$0x5] =	wrdreg $0x9  }
0xb3: {  	_ =	task.clear_ibuf [dreg:s8], $0x6FFFF;
	_ =	strace $0x90000049  }
0xb4: {  	s29 =	simm.s32 $0x9;
	_ =	strace $0x8000004B  }
0xb5: {  	_ =	swait.ge [sflag:s29], $0x1  }
0xb6: {  	[sflag:s29] =	ssyncadd.s32 $0xFFFFFFFF  }
0xb7: {  	_ =	strace $0x9000004B  }
0xb8: {  	_ =	sfence  }
0xb9: {  	s30 =	sld [smem:$0x0];
	_ =	sdelay $0x2  }
0xba: {  	s31 =	sshll.u32 s1, $0xD;
	s1 =	sshrl.u32 s1, $0x2  }
0xbb: {  	s3 =	sand.u32 $0x4000, s31;
	s1 =	sadd.s32 s1, s30  }
0xbc: {  	s0 =	sor.u32 s3, s0;
	s1 =	sshll.u32 s1, $0x11  }
0xbd: {  	s0 =	sor.u32 s1, s0  }
0xbe: {  	s0 =	sadd.s32 $0x8F2B, s0  }
0xbf: {  	[sflag:s0] =	ssyncadd.remote.s32 $0x1  }
0xc0: {  	_ =	sfence.sel $0xFFFF  }
0xc1: {  	[dreg:$0x0] =	wrdreg $0xFFFFFFFF;
	(pc) =	sbr.abs _section_cstart, $3  }
0xc2: {  	[dreg:$0x1] =	wrdreg $0xFFFFFFFF  }
0xc3: {  	_ =	task.clear_ibuf [dreg:s8], $0x2FFFF;
	_ =	strace $0x9FFFFFFF  }
0xc4: {  	(tm) =	ssettm $0x7FFFFFFF  }
0xc5: {  	_ =	shalt  }
tec
execute0_lowered:
.L_overlay_start_1:
0x0: {  	(tag) =	ssettag $0x1  }
0x1: {  	s4 =	rddreg [dreg:$0x0]  }
0x2: {  	s5 =	rddreg [dreg:$0x1]  }
0x3: {  	s7 =	rddreg [dreg:$0x2]  }
0x4: {  	s0 =	rddreg [dreg:$0x3];
	s2 =	simm.s32 $0x0;
	s3 =	srdreg.scid  }
0x5: {  	s1 =	stileid.u32;
	s11 =	simm.s32 $0x400;
	s12 =	simm.s32 $0x600  }
0x6: {  	s13 =	simm.s32 $0x1;
	s14 =	simm.s32 $0x800;
	s15 =	simm.s32 $0x0  }
0x7: {  	[smem:$0x7FF] =	sst s2;
	s3 =	sand.u32 $0x1, s3;
	s6 =	sshll.u32 s1, $0x7  }
0x8: {  	s8 =	sshll.u32 s3, $0x6;
	s9 =	ssub.s32 $0x2, s3;
	_ =	strace $0x8000004A  }
0x9: {  	s3 =	sadd.s32 $0x7400, s5;
	s8 =	sor.u32 s8, s6;
	s31 =	sshrl.u32 s9, $0x1  }
0xa: {  	s10 =	sadd.s32 s8, s5;
	s9 =	ssub.s32 s9, s31;
	s4 =	sadd.s32 s4, s8  }
0xb: {  	s7 =	sadd.s32 s7, s8;
	s5 =	sadd.s32 $0x6400, s10;
	s6 =	sadd.s32 $0x6C00, s10  }
0xc: {  	s8 =	smax.u32 s9, $0x1;
	s9 =	simm.s32 $0x2;
	s10 =	simm.s32 $0x200  }
.LBB2_1:
0xd: {  	[tilespmem:s2], [sflag:$0x2] =	stream.linear.gather [hbm4b:s4+s2], $0x200, $0x38;
	[tilespmem:$0xA00] =	vst v63  }
0xe: {  	_ =	swait.ge [sflag:s9], $0x200  }
0xf: {  	[sflag:s9] =	ssyncset.done $0x0  }
0x10: {  	[sflag:s9] =	ssyncadd.s32 $0xFFFFFE00  }
0x11: {  	[tilespmem:s10], [sflag:$0x1] =	stream.indirect.gather [hbm4b:s3+s10], $0x1, s2, s10, $0xb8;
	[tilespmem:$0xA00] =	vst v63  }
0x12: {  	_ = 	snop  }
0x13: {  	[tilespmem:s11], [sflag:$0x2] =	stream.linear.gather [hbm4b:s5+s2], $0x200, $0x38;
	[tilespmem:$0xA00] =	vst v63  }
0x14: {  	_ =	swait.ge [sflag:s9], $0x200  }
0x15: {  	[sflag:s9] =	ssyncset.done $0x0  }
0x16: {  	[sflag:s9] =	ssyncadd.s32 $0xFFFFFE00  }
0x17: {  	[tilespmem:s12], [sflag:$0x2] =	stream.linear.gather [hbm4b:s6+s2], $0x200, $0x38;
	[tilespmem:$0xA00] =	vst v63  }
0x18: {  	_ =	swait.ge [sflag:s9], $0x200  }
0x19: {  	[sflag:s9] =	ssyncset.done $0x0  }
0x1a: {  	[sflag:s9] =	ssyncadd.s32 $0xFFFFFE00  }
0x1b: {  	_ =	swait.ge [sflag:s13], $0x200  }
0x1c: {  	[sflag:s13] =	ssyncset.done $0x0  }
0x1d: {  	s19 =	simm.s32 $0x220;
	[sflag:s13] =	ssyncadd.s32 $0xFFFFFE00  }
0x1e: {  	v0 =	vld [tilespmem:s19+$0xFFFFFFE0];
	_ =	sdelay $0x4  }
0x1f: {  	v0 =	vsub.f32 $0.0e+00, v0;
	_ =	sdelay $0x1  }
0x20: {  	v0 =	vmul.f32 $1.442695020e+00, v0;
	_ =	sdelay $0x1  }
0x21: {  	(erf) = vpow2.f32 v0;
	_ =	sdelay $0x8  }
0x22: {  	v0 =	vpop (erf)  }
0x23: {  	v0 =	vadd.f32 $1.000000000e+00, v0;
	_ =	sdelay $0x1  }
0x24: {  	(erf) = vrcp.f32 v0;
	_ =	sdelay $0x3  }
0x25: {  	s16 =	simm.s32 $0x620  }
0x26: {  	v54 =	vld [tilespmem:s16+$0xFFFFFFE0]  }
0x27: {  	s17 =	simm.s32 $0x420  }
0x28: {  	v1 =	vld [tilespmem:s17+$0xFFFFFFE0];
	_ =	sdelay $0x1  }
0x29: {  	v2 =	vpop (erf)  }
0x2a: {  	v0 =	vsub.f32 v2, v54;
	_ =	sdelay $0x1  }
0x2b: {  	v0 =	vmul.f32 v0, v1;
	_ =	sdelay $0x1  }
0x2c: {  	v0 =	vsub.f32 $0.0e+00, v0;
	_ =	sdelay $0x1  }
0x2d: {  	v0 =	vmul.f32 $1.442695020e+00, v0;
	_ =	sdelay $0x1  }
0x2e: {  	(erf) = vpow2.f32 v0;
	_ =	sdelay $0x8  }
0x2f: {  	v0 =	vpop (erf)  }
0x30: {  	v0 =	vadd.f32 $1.000000000e+00, v0;
	_ =	sdelay $0x1  }
0x31: {  	(erf) = vrcp.f32 v0;
	_ =	sdelay $0x8  }
0x32: {  	s18 =	simm.s32 $0x820;
	v0 =	vpop (erf)  }
0x33: {  	[tilespmem:s18+$0xFFFFFFE0] =	vst v0  }
0x34: {  	v0 =	vld [tilespmem:s19+$0xFFFFFFF0];
	_ =	sdelay $0x4  }
0x35: {  	v0 =	vsub.f32 $0.0e+00, v0;
	_ =	sdelay $0x1  }
0x36: {  	v0 =	vmul.f32 $1.442695020e+00, v0;
	_ =	sdelay $0x1  }
0x37: {  	(erf) = vpow2.f32 v0;
	_ =	sdelay $0x8  }
0x38: {  	v0 =	vpop (erf)  }
0x39: {  	v0 =	vadd.f32 $1.000000000e+00, v0;
	_ =	sdelay $0x1  }
0x3a: {  	(erf) = vrcp.f32 v0;
	_ =	sdelay $0x4  }
0x3b: {  	v55 =	vld [tilespmem:s16+$0xFFFFFFF0];
	_ =	sdelay $0x1  }
0x3c: {  	v56 =	vld [tilespmem:s17+$0xFFFFFFF0];
	_ =	sdelay $0x1  }
0x3d: {  	v57 =	vpop (erf)  }
0x3e: {  	v0 =	vsub.f32 v57, v55;
	_ =	sdelay $0x1  }
0x3f: {  	v0 =	vmul.f32 v0, v56;
	_ =	sdelay $0x1  }
0x40: {  	v0 =	vsub.f32 $0.0e+00, v0;
	_ =	sdelay $0x1  }
0x41: {  	v0 =	vmul.f32 $1.442695020e+00, v0;
	_ =	sdelay $0x1  }
0x42: {  	(erf) = vpow2.f32 v0;
	_ =	sdelay $0x8  }
0x43: {  	v0 =	vpop (erf)  }
0x44: {  	v0 =	vadd.f32 $1.000000000e+00, v0;
	_ =	sdelay $0x1  }
0x45: {  	(erf) = vrcp.f32 v0;
	_ =	sdelay $0x8  }
0x46: {  	v0 =	vpop (erf)  }
0x47: {  	[tilespmem:s18+$0xFFFFFFF0] =	vst v0  }
0x48: {  	v0 =	vld [tilespmem:s19+$0x0];
	_ =	sdelay $0x4  }
0x49: {  	v0 =	vsub.f32 $0.0e+00, v0;
	_ =	sdelay $0x1  }
0x4a: {  	v0 =	vmul.f32 $1.442695020e+00, v0;
	_ =	sdelay $0x1  }
0x4b: {  	(erf) = vpow2.f32 v0;
	_ =	sdelay $0x8  }
0x4c: {  	v0 =	vpop (erf)  }
0x4d: {  	v0 =	vadd.f32 $1.000000000e+00, v0;
	_ =	sdelay $0x1  }
0x4e: {  	(erf) = vrcp.f32 v0;
	_ =	sdelay $0x4  }
0x4f: {  	v58 =	vld [tilespmem:s16+$0x0];
	_ =	sdelay $0x1  }
0x50: {  	v59 =	vld [tilespmem:s17+$0x0];
	_ =	sdelay $0x1  }
0x51: {  	v60 =	vpop (erf)  }
0x52: {  	v0 =	vsub.f32 v60, v58;
	_ =	sdelay $0x1  }
0x53: {  	v0 =	vmul.f32 v0, v59;
	_ =	sdelay $0x1  }
0x54: {  	v0 =	vsub.f32 $0.0e+00, v0;
	_ =	sdelay $0x1  }
0x55: {  	v0 =	vmul.f32 $1.442695020e+00, v0;
	_ =	sdelay $0x1  }
0x56: {  	(erf) = vpow2.f32 v0;
	_ =	sdelay $0x8  }
0x57: {  	v0 =	vpop (erf)  }
0x58: {  	v0 =	vadd.f32 $1.000000000e+00, v0;
	_ =	sdelay $0x1  }
0x59: {  	(erf) = vrcp.f32 v0;
	_ =	sdelay $0x8  }
0x5a: {  	v0 =	vpop (erf)  }
0x5b: {  	[tilespmem:s18+$0x0] =	vst v0  }
0x5c: {  	v0 =	vld [tilespmem:s19+$0x10];
	_ =	sdelay $0x4  }
0x5d: {  	v0 =	vsub.f32 $0.0e+00, v0;
	_ =	sdelay $0x1  }
0x5e: {  	v0 =	vmul.f32 $1.442695020e+00, v0;
	_ =	sdelay $0x1  }
0x5f: {  	(erf) = vpow2.f32 v0;
	_ =	sdelay $0x8  }
0x60: {  	v0 =	vpop (erf)  }
0x61: {  	v0 =	vadd.f32 $1.000000000e+00, v0;
	_ =	sdelay $0x1  }
0x62: {  	(erf) = vrcp.f32 v0;
	_ =	sdelay $0x4  }
0x63: {  	v61 =	vld [tilespmem:s16+$0x10];
	_ =	sdelay $0x1  }
0x64: {  	v62 =	vld [tilespmem:s17+$0x10];
	_ =	sdelay $0x1  }
0x65: {  	v63 =	vpop (erf)  }
0x66: {  	v0 =	vsub.f32 v63, v61;
	_ =	sdelay $0x1  }
0x67: {  	v0 =	vmul.f32 v0, v62;
	_ =	sdelay $0x1  }
0x68: {  	v0 =	vsub.f32 $0.0e+00, v0;
	_ =	sdelay $0x1  }
0x69: {  	v0 =	vmul.f32 $1.442695020e+00, v0;
	_ =	sdelay $0x1  }
0x6a: {  	(erf) = vpow2.f32 v0;
	_ =	sdelay $0x8  }
0x6b: {  	v0 =	vpop (erf)  }
0x6c: {  	v0 =	vadd.f32 $1.000000000e+00, v0;
	_ =	sdelay $0x1  }
0x6d: {  	(erf) = vrcp.f32 v0;
	_ =	sdelay $0x8  }
0x6e: {  	v0 =	vpop (erf)  }
0x6f: {  	s20 =	simm.s32 $0x260;
	s19 =	simm.s32 $0x0;
	[tilespmem:s18+$0x10] =	vst v0  }
.LBB2_2:
0x70: {  	v0 =	vld [tilespmem:s20+$0xFFFFFFE0];
	s19 =	sadd.s32 $0x4, s19;
	s16 =	sadd.s32 $0x40, s16  }
0x71: {  	s17 =	sadd.s32 $0x40, s17;
	v1 =	vld [tilespmem:s16+$0xFFFFFFE0];
	p0 =	slt.u32 s19, $0x1C  }
0x72: {  	v2 =	vld [tilespmem:s17+$0xFFFFFFE0];
	_ =	sdelay $0x2  }
0x73: {  	v0 =	vsub.f32 $0.0e+00, v0;
	_ =	sdelay $0x1  }
0x74: {  	v0 =	vmul.f32 $1.442695020e+00, v0;
	_ =	sdelay $0x1  }
0x75: {  	(erf) = vpow2.f32 v0;
	_ =	sdelay $0x8  }
0x76: {  	v0 =	vpop (erf)  }
0x77: {  	v0 =	vadd.f32 $1.000000000e+00, v0;
	_ =	sdelay $0x1  }
0x78: {  	(erf) = vrcp.f32 v0;
	_ =	sdelay $0x8  }
0x79: {  	v0 =	vpop (erf)  }
0x7a: {  	v0 =	vsub.f32 v0, v1;
	_ =	sdelay $0x1  }
0x7b: {  	v0 =	vmul.f32 v0, v2;
	_ =	sdelay $0x1  }
0x7c: {  	v0 =	vsub.f32 $0.0e+00, v0;
	_ =	sdelay $0x1  }
0x7d: {  	v0 =	vmul.f32 $1.442695020e+00, v0;
	_ =	sdelay $0x1  }
0x7e: {  	(erf) = vpow2.f32 v0;
	_ =	sdelay $0x8  }
0x7f: {  	v0 =	vpop (erf)  }
0x80: {  	v0 =	vadd.f32 $1.000000000e+00, v0;
	_ =	sdelay $0x1  }
0x81: {  	(erf) = vrcp.f32 v0;
	_ =	sdelay $0x8  }
0x82: {  	s18 =	sadd.s32 $0x40, s18;
	v0 =	vpop (erf)  }
0x83: {  	[tilespmem:s18+$0xFFFFFFE0] =	vst v0  }
0x84: {  	v0 =	vld [tilespmem:s20+$0xFFFFFFF0];
	_ =	sdelay $0x4  }
0x85: {  	v0 =	vsub.f32 $0.0e+00, v0;
	_ =	sdelay $0x1  }
0x86: {  	v0 =	vmul.f32 $1.442695020e+00, v0;
	_ =	sdelay $0x1  }
0x87: {  	(erf) = vpow2.f32 v0;
	_ =	sdelay $0x8  }
0x88: {  	v0 =	vpop (erf)  }
0x89: {  	v0 =	vadd.f32 $1.000000000e+00, v0;
	_ =	sdelay $0x1  }
0x8a: {  	(erf) = vrcp.f32 v0;
	_ =	sdelay $0x4  }
0x8b: {  	v0 =	vld [tilespmem:s16+$0xFFFFFFF0];
	_ =	sdelay $0x1  }
0x8c: {  	v1 =	vld [tilespmem:s17+$0xFFFFFFF0];
	_ =	sdelay $0x1  }
0x8d: {  	v2 =	vpop (erf)  }
0x8e: {  	v0 =	vsub.f32 v2, v0;
	_ =	sdelay $0x1  }
0x8f: {  	v0 =	vmul.f32 v0, v1;
	_ =	sdelay $0x1  }
0x90: {  	v0 =	vsub.f32 $0.0e+00, v0;
	_ =	sdelay $0x1  }
0x91: {  	v0 =	vmul.f32 $1.442695020e+00, v0;
	_ =	sdelay $0x1  }
0x92: {  	(erf) = vpow2.f32 v0;
	_ =	sdelay $0x8  }
0x93: {  	v0 =	vpop (erf)  }
0x94: {  	v0 =	vadd.f32 $1.000000000e+00, v0;
	_ =	sdelay $0x1  }
0x95: {  	(erf) = vrcp.f32 v0;
	_ =	sdelay $0x8  }
0x96: {  	v0 =	vpop (erf)  }
0x97: {  	[tilespmem:s18+$0xFFFFFFF0] =	vst v0  }
0x98: {  	v0 =	vld [tilespmem:s20+$0x0];
	_ =	sdelay $0x4  }
0x99: {  	v0 =	vsub.f32 $0.0e+00, v0;
	_ =	sdelay $0x1  }
0x9a: {  	v0 =	vmul.f32 $1.442695020e+00, v0;
	_ =	sdelay $0x1  }
0x9b: {  	(erf) = vpow2.f32 v0;
	_ =	sdelay $0x8  }
0x9c: {  	v0 =	vpop (erf)  }
0x9d: {  	v0 =	vadd.f32 $1.000000000e+00, v0;
	_ =	sdelay $0x1  }
0x9e: {  	(erf) = vrcp.f32 v0;
	_ =	sdelay $0x4  }
0x9f: {  	v0 =	vld [tilespmem:s16+$0x0];
	_ =	sdelay $0x1  }
0xa0: {  	v1 =	vld [tilespmem:s17+$0x0];
	_ =	sdelay $0x1  }
0xa1: {  	v2 =	vpop (erf)  }
0xa2: {  	v0 =	vsub.f32 v2, v0;
	_ =	sdelay $0x1  }
0xa3: {  	v0 =	vmul.f32 v0, v1;
	_ =	sdelay $0x1  }
0xa4: {  	v0 =	vsub.f32 $0.0e+00, v0;
	_ =	sdelay $0x1  }
0xa5: {  	v0 =	vmul.f32 $1.442695020e+00, v0;
	_ =	sdelay $0x1  }
0xa6: {  	(erf) = vpow2.f32 v0;
	_ =	sdelay $0x8  }
0xa7: {  	v0 =	vpop (erf)  }
0xa8: {  	v0 =	vadd.f32 $1.000000000e+00, v0;
	_ =	sdelay $0x1  }
0xa9: {  	(erf) = vrcp.f32 v0;
	_ =	sdelay $0x8  }
0xaa: {  	v0 =	vpop (erf)  }
0xab: {  	[tilespmem:s18+$0x0] =	vst v0  }
0xac: {  	v0 =	vld [tilespmem:s20+$0x10]  }
0xad: {  	v1 =	vld [tilespmem:s16+$0x10]  }
0xae: {  	v2 =	vld [tilespmem:s17+$0x10];
	_ =	sdelay $0x2  }
0xaf: {  	v0 =	vsub.f32 $0.0e+00, v0;
	_ =	sdelay $0x1  }
0xb0: {  	v0 =	vmul.f32 $1.442695020e+00, v0;
	_ =	sdelay $0x1  }
0xb1: {  	(erf) = vpow2.f32 v0;
	_ =	sdelay $0x8  }
0xb2: {  	v0 =	vpop (erf)  }
0xb3: {  	v0 =	vadd.f32 $1.000000000e+00, v0;
	_ =	sdelay $0x1  }
0xb4: {  	(erf) = vrcp.f32 v0;
	_ =	sdelay $0x8  }
0xb5: {  	v0 =	vpop (erf)  }
0xb6: {  	v0 =	vsub.f32 v0, v1;
	_ =	sdelay $0x1  }
0xb7: {  	v0 =	vmul.f32 v0, v2;
	_ =	sdelay $0x1  }
0xb8: {  	v0 =	vsub.f32 $0.0e+00, v0;
	_ =	sdelay $0x1  }
0xb9: {  	v0 =	vmul.f32 $1.442695020e+00, v0;
	_ =	sdelay $0x1  }
0xba: {  	(erf) = vpow2.f32 v0;
	_ =	sdelay $0x8  }
0xbb: {  	v0 =	vpop (erf)  }
0xbc: {  	v0 =	vadd.f32 $1.000000000e+00, v0;
	_ =	sdelay $0x1  }
0xbd: {  	(erf) = vrcp.f32 v0;
	_ =	sdelay $0x5  }
.Ltmp0:
0xbe: {  	(pc) =	sbr.rel @p0 .LBB2_2-.Ltmp0, $3  }
0xbf: {  	_ =	sdelay $0x1  }
0xc0: {  	v0 =	vpop (erf)  }
0xc1: {  	s20 =	sadd.s32 $0x40, s20;
	[tilespmem:s18+$0x10] =	vst v0  }
0xc2: {  	s15 =	sadd.s32 $0x1, s15  }
0xc3: {  	p0 =	sne.s32 s15, s8  }
.Ltmp1:
0xc4: {  	_ = 	snop;
	(pc) =	sbr.rel @p0 .LBB2_1-.Ltmp1, $4  }
0xc5: {  	[hbm4b:s7+s2] =	stream.linear.scatter [tilespmem:s14], [sflag:$0x2], $0x200, $0x38;
	[tilespmem:$0xA00] =	vst v63  }
0xc6: {  	_ =	swait.ge [sflag:s9], $0x200  }
0xc7: {  	[sflag:s9] =	ssyncset.done $0x0  }
0xc8: {  	[sflag:s9] =	ssyncadd.s32 $0xFFFFFE00  }
0xc9: {  	_ =	sfence.sel $0x180000  }
0xca: {  	[bflag:$0x0] =	sbarrier.arrive $0xFFFF  }
0xcb: {  	p0 =	sne.s32 s1, $0x0;
	_ =	strace $0x9000004A  }
0xcc: {  	s0 =	sadd.s32 @!p0 $0x100000, s0;
	[bflag:$0x2] =	sbarrier.arrive $0xFFFF  }
0xcd: {  	[sflag:s0] =	ssyncadd.tile.s32 @!p0 $0x1;
	_ =	shalt  }
.Lfunc_end2:
_tile_overlayer_lowered:
.L_overlay_start_2:
0xce: {  	(tag) =	ssettag $0x2  }
0xcf: {  	s0 =	rddreg [dreg:$0x0];
	s2 =	stileid.u32  }
0xd0: {  	s1 =	rddreg [dreg:$0x1];
	p0 =	sne.s32 s2, $0x0  }
0xd1: {  	s3 =	rddreg [dreg:$0x2];
	[bflag:$0x3] =	sbarrier.arrive $0xFFFF;
	s2 =	simm.s32 @!p0 $0x1C02  }
0xd2: {  	[timem:s3], [sflag:s2] =	dma.local @!p0 [hbm:s0], s1  }
0xd3: {  	s0 =	simm.s32 @!p0 $0x2  }
0xd4: {  	_ =	swait.ge @!p0 [sflag:s0], s1  }
0xd5: {  	s1 =	ssub.s32 @!p0 $0x0, s1;
	[sflag:s0] =	ssyncset.done @!p0 $0x0  }
0xd6: {  	[sflag:s0] =	ssyncadd.s32 @!p0 s1  }
0xd7: {  	[bflag:$0x3] =	sbarrier.arrive $0xFFFF  }
0xd8: {  	_ =	shalt  }

</sc_bundles>
